<compile_context>
chip_gen: v7x
topology: tpu7x:2x2x1
jax: 0.10.2.dev20260603
libtpu: 0.0.44.dev20260713+nightly
codegen_flags: <defaults>
</compile_context>

<pallas_src>
import functools

import jax
import jax.numpy as jnp
from jax import lax
from jax.experimental import pallas as pl
from jax.experimental.pallas import tpu as pltpu
from jax.experimental.pallas import tpu_sc as plsc

N = 10000
D = 128
E = 320000

NC = 2
NS = 16
NW = NC * NS

CHUNK = 128
N_PAD = 10240
STRIPE = N_PAD // NS
BLKS = STRIPE // CHUNK
PER_W = 10112
N_CHUNKS = PER_W // CHUNK
E_PAD = PER_W * NW


def _make_sc_agg(with_deg):
    mesh = plsc.VectorSubcoreMesh(core_axis_name="c", subcore_axis_name="s")

    def body(*args):
        if with_deg:
            (x_hbm, src_hbm, dst_hbm, zrow_hbm, zs_hbm, ones_hbm,
             part_hbm, degp_hbm,
             acc_sh, deg_sh, src_idx, dst_idx, rows, ones_v, vs, sem) = args
        else:
            (x_hbm, src_hbm, dst_hbm, zrow_hbm,
             part_hbm,
             acc_sh, src_idx, dst_idx, rows, sem) = args
        c = lax.axis_index("c")
        s = lax.axis_index("s")
        wid = s * NC + c

        pltpu.sync_copy(zrow_hbm, rows)
        for k in range(BLKS):
            pltpu.sync_copy(rows, acc_sh.at[pl.ds(s * STRIPE + k * CHUNK, CHUNK), :])
        if with_deg:
            pltpu.sync_copy(zs_hbm, vs)
            pltpu.sync_copy(vs, deg_sh.at[pl.ds(s * STRIPE, STRIPE)])
            pltpu.sync_copy(ones_hbm, ones_v)
        plsc.subcore_barrier()

        def chunk_step(j, carry):
            base = wid * PER_W + j * CHUNK
            pltpu.sync_copy(src_hbm.at[pl.ds(base, CHUNK)], src_idx)
            pltpu.sync_copy(dst_hbm.at[pl.ds(base, CHUNK)], dst_idx)
            pltpu.async_copy(x_hbm.at[src_idx], rows, sem).wait()
            pltpu.sync_copy(rows, acc_sh.at[dst_idx], add=True)
            if with_deg:
                pltpu.sync_copy(ones_v, deg_sh.at[dst_idx], add=True)
            return carry

        lax.fori_loop(0, N_CHUNKS, chunk_step, 0)
        plsc.subcore_barrier()

        for k in range(BLKS):
            pltpu.sync_copy(acc_sh.at[pl.ds(s * STRIPE + k * CHUNK, CHUNK), :], rows)
            pltpu.sync_copy(rows, part_hbm.at[pl.ds(c * N_PAD + s * STRIPE + k * CHUNK, CHUNK), :])
        if with_deg:
            pltpu.sync_copy(deg_sh.at[pl.ds(s * STRIPE, STRIPE)], vs)
            pltpu.sync_copy(vs, degp_hbm.at[pl.ds(c * N_PAD + s * STRIPE, STRIPE)])

    out_type = [jax.ShapeDtypeStruct((NC * N_PAD, D), jnp.float32)]
    scratch = [
        pltpu.VMEM_SHARED((N_PAD, D), jnp.float32),
        pltpu.VMEM((CHUNK,), jnp.int32),
        pltpu.VMEM((CHUNK,), jnp.int32),
        pltpu.VMEM((CHUNK, D), jnp.float32),
        pltpu.SemaphoreType.DMA,
    ]
    if with_deg:
        out_type.append(jax.ShapeDtypeStruct((NC * N_PAD,), jnp.float32))
        scratch.insert(1, pltpu.VMEM_SHARED((N_PAD,), jnp.float32))
        scratch.insert(5, pltpu.VMEM((CHUNK,), jnp.float32))
        scratch.insert(6, pltpu.VMEM((STRIPE,), jnp.float32))
    return functools.partial(
        pl.kernel, mesh=mesh, out_type=tuple(out_type), scratch_types=scratch,
    )(body)


_sc_agg_deg = _make_sc_agg(True)
_sc_agg = _make_sc_agg(False)


def _tc_layer_body(relu, p_ref, dp_ref, x_ref, wl_ref, b_ref, wr_ref, o_ref):
    deg = dp_ref[0] + dp_ref[1]
    mean = (p_ref[0] + p_ref[1]) * (1.0 / jnp.maximum(deg, 1.0))
    acc = lax.dot_general(mean, wl_ref[...], (((1,), (1,)), ((), ())),
                          preferred_element_type=jnp.float32)
    acc = acc + b_ref[...]
    acc = acc + lax.dot_general(x_ref[...], wr_ref[...], (((1,), (1,)), ((), ())),
                                preferred_element_type=jnp.float32)
    o_ref[...] = jnp.maximum(acc, 0.0) if relu else acc


def _tc_layer(part, degp, x, W_l, b, W_r, relu):
    return pl.pallas_call(
        functools.partial(_tc_layer_body, relu),
        out_shape=jax.ShapeDtypeStruct((N, D), jnp.float32),
    )(part, degp, x, W_l, b.reshape(1, D), W_r)


def kernel(x, edge_index, W1_l, b1, W1_r, W2_l, b2, W2_r):
    pad = E_PAD - E
    src = jnp.concatenate([edge_index[0], jnp.zeros((pad,), jnp.int32)])
    dst = jnp.concatenate([edge_index[1], jnp.full((pad,), N, jnp.int32)])
    zrow = jnp.zeros((CHUNK, D), jnp.float32)
    zs = jnp.zeros((STRIPE,), jnp.float32)
    ones_b = jnp.ones((CHUNK,), jnp.float32)

    part1, degp = _sc_agg_deg(x, src, dst, zrow, zs, ones_b)
    part1 = part1.reshape(NC, N_PAD, D)
    dp = degp.reshape(NC, N_PAD, 1)[:, :N, :]
    h = _tc_layer(part1[:, :N, :], dp, x, W1_l, b1, W1_r, relu=True)

    (part2,) = _sc_agg(h, src, dst, zrow)
    part2 = part2.reshape(NC, N_PAD, D)
    out = _tc_layer(part2[:, :N, :], dp, h, W2_l, b2, W2_r, relu=False)
    return out

# --- scband reference (transcript-rebuilt; emitter-appended) ---
"""Pipeline reference for scband-gnnmodel-10926396801112 (READ-ONLY COPY).

The authoritative reference and input builder live on the scoring server;
editing this copy changes nothing except your own understanding.
"""

import jax, jax.numpy as jnp
import numpy as np

N = 10000
E = 320000
D_IN = 128
D_HID = 128
D_OUT = 128


def setup_inputs(seed: int = 0) -> dict:
    key = jax.random.key(seed)
    ks = jax.random.split(key, 8)
    x = jax.random.normal(ks[0], (N, D_IN), dtype=jnp.float32)
    edge_index = jax.random.randint(ks[1], (2, E), 0, N, dtype=jnp.int32)
    s1 = 1.0 / np.sqrt(D_IN)
    s2 = 1.0 / np.sqrt(D_HID)
    W1_l = jax.random.normal(ks[2], (D_HID, D_IN), dtype=jnp.float32) * s1
    W1_r = jax.random.normal(ks[3], (D_HID, D_IN), dtype=jnp.float32) * s1
    b1 = jnp.zeros((D_HID,), dtype=jnp.float32)
    W2_l = jax.random.normal(ks[4], (D_OUT, D_HID), dtype=jnp.float32) * s2
    W2_r = jax.random.normal(ks[5], (D_OUT, D_HID), dtype=jnp.float32) * s2
    b2 = jnp.zeros((D_OUT,), dtype=jnp.float32)
    return {"x": x, "edge_index": edge_index, "W1_l": W1_l, "b1": b1, "W1_r": W1_r,
            "W2_l": W2_l, "b2": b2, "W2_r": W2_r}


def _sage_conv(x, edge_index, W_l, b_l, W_r):
    # PyG SAGEConv with mean aggregation:
    # out = lin_l(mean_{j in N(i)} x_j) + lin_r(x_i)
    src = edge_index[0]
    dst = edge_index[1]
    msgs = jnp.take(x, src, axis=0)
    agg = jax.ops.segment_sum(msgs, dst, num_segments=x.shape[0])
    deg = jax.ops.segment_sum(jnp.ones((msgs.shape[0],), dtype=x.dtype), dst,
                              num_segments=x.shape[0])
    mean = agg / jnp.maximum(deg, 1.0)[:, None]
    return mean @ W_l.T + b_l + x @ W_r.T


def reference(x, edge_index, W1_l, b1, W1_r, W2_l, b2, W2_r):
    h = _sage_conv(x, edge_index, W1_l, b1, W1_r)
    h = jax.nn.relu(h)
    out = _sage_conv(h, edge_index, W2_l, b2, W2_r)
    return out

if __name__ == "__main__":
    import jax
    _d = setup_inputs()
    print(jax.jit(kernel)(*tuple(_d.values())))

</pallas_src>

<mosaic_0001>
#map = affine_map<(d0, d1) -> (0, 0)>
#map1 = affine_map<(d0, d1) -> (0)>
module attributes {stable_mosaic.version = 14 : i64} {
  func.func @body(%arg0: i32, %arg1: i32, %arg2: memref<10000x128xf32, #tpu.memory_space<hbm>>, %arg3: memref<323584xi32, #tpu.memory_space<hbm>>, %arg4: memref<323584xi32, #tpu.memory_space<hbm>>, %arg5: memref<128x128xf32, #tpu.memory_space<hbm>>, %arg6: memref<20480x128xf32, #tpu.memory_space<hbm>>, %arg7: memref<10240x128xf32, #tpu.memory_space<vmem_shared>>, %arg8: memref<128xi32, #tpu.memory_space<vmem>>, %arg9: memref<128xi32, #tpu.memory_space<vmem>>, %arg10: memref<128x128xf32, #tpu.memory_space<vmem>>, %arg11: memref<!tpu.dma_semaphore, #tpu.memory_space<semaphore_mem>>) attributes {dimension_semantics = [#tpu.dimension_semantics<core_parallel>, #tpu.dimension_semantics<subcore_parallel>], iteration_bounds = array<i64: 2, 16>, scalar_prefetch = 0 : i64, scratch_operands = 5 : i64, tpu.core_type = #tpu.core_type<sc_vector_subcore>, window_params = [{transform_indices = #map}, {transform_indices = #map1}, {transform_indices = #map1}, {transform_indices = #map}, {transform_indices = #map}]} {
    %mul3A = arith.constant 2 : i32
    %mul3A_0 = arith.muli %arg1, %mul3A : i32
    %add3A = arith.addi %mul3A_0, %arg0 : i32
    "tpu.region"() ({
      %run_scoped3A = tpu.sem_alloc : memref<!tpu.dma_semaphore, #tpu.memory_space<semaphore_mem>>
      tpu.enqueue_dma source(%arg5 : memref<128x128xf32, #tpu.memory_space<hbm>>) target(%arg10 : memref<128x128xf32, #tpu.memory_space<vmem>>) target_semaphore(%run_scoped3A : memref<!tpu.dma_semaphore, #tpu.memory_space<semaphore_mem>>)
      tpu.wait_dma2 semaphore(%run_scoped3A : memref<!tpu.dma_semaphore, #tpu.memory_space<semaphore_mem>>) src(%arg5 : memref<128x128xf32, #tpu.memory_space<hbm>>) dst(%arg10 : memref<128x128xf32, #tpu.memory_space<vmem>>)
      tpu.yield
    }) : () -> ()
    %mul3A_1 = arith.constant 640 : i32
    %mul3A_2 = arith.muli %arg1, %mul3A_1 : i32
    %add3A_3 = arith.constant 0 : i32
    %add3A_4 = arith.addi %mul3A_2, %add3A_3 : i32
    "tpu.region"() ({
      %run_scoped3A = tpu.sem_alloc : memref<!tpu.dma_semaphore, #tpu.memory_space<semaphore_mem>>
      %dma_start3A = arith.constant 0 : i32
      %dma_start3A_82 = tpu.memref_slice %arg7[%add3A_4, %dma_start3A] : memref<10240x128xf32, #tpu.memory_space<vmem_shared>> -> memref<128x128xf32, #tpu.memory_space<vmem_shared>>
      %dma_start3A_83 = arith.constant 0 : i32
      %dma_start3A_84 = tpu.memref_slice %arg7[%add3A_4, %dma_start3A_83] : memref<10240x128xf32, #tpu.memory_space<vmem_shared>> -> memref<128x128xf32, #tpu.memory_space<vmem_shared>>
      tpu.enqueue_dma source(%arg10 : memref<128x128xf32, #tpu.memory_space<vmem>>) target(%dma_start3A_84 : memref<128x128xf32, #tpu.memory_space<vmem_shared>>) target_semaphore(%run_scoped3A : memref<!tpu.dma_semaphore, #tpu.memory_space<semaphore_mem>>)
      %dma_wait3A = arith.constant 0 : i32
      %dma_wait3A_85 = tpu.memref_slice %arg7[%add3A_4, %dma_wait3A] : memref<10240x128xf32, #tpu.memory_space<vmem_shared>> -> memref<128x128xf32, #tpu.memory_space<vmem_shared>>
      %dma_wait3A_86 = arith.constant 0 : i32
      %dma_wait3A_87 = tpu.memref_slice %arg7[%add3A_4, %dma_wait3A_86] : memref<10240x128xf32, #tpu.memory_space<vmem_shared>> -> memref<128x128xf32, #tpu.memory_space<vmem_shared>>
      tpu.wait_dma2 semaphore(%run_scoped3A : memref<!tpu.dma_semaphore, #tpu.memory_space<semaphore_mem>>) src(%arg10 : memref<128x128xf32, #tpu.memory_space<vmem>>) dst(%dma_wait3A_87 : memref<128x128xf32, #tpu.memory_space<vmem_shared>>)
      tpu.yield
    }) : () -> ()
    %mul3A_5 = arith.constant 640 : i32
    %mul3A_6 = arith.muli %arg1, %mul3A_5 : i32
    %add3A_7 = arith.constant 128 : i32
    %add3A_8 = arith.addi %mul3A_6, %add3A_7 : i32
    "tpu.region"() ({
      %run_scoped3A = tpu.sem_alloc : memref<!tpu.dma_semaphore, #tpu.memory_space<semaphore_mem>>
      %dma_start3A = arith.constant 0 : i32
      %dma_start3A_82 = tpu.memref_slice %arg7[%add3A_8, %dma_start3A] : memref<10240x128xf32, #tpu.memory_space<vmem_shared>> -> memref<128x128xf32, #tpu.memory_space<vmem_shared>>
      %dma_start3A_83 = arith.constant 0 : i32
      %dma_start3A_84 = tpu.memref_slice %arg7[%add3A_8, %dma_start3A_83] : memref<10240x128xf32, #tpu.memory_space<vmem_shared>> -> memref<128x128xf32, #tpu.memory_space<vmem_shared>>
      tpu.enqueue_dma source(%arg10 : memref<128x128xf32, #tpu.memory_space<vmem>>) target(%dma_start3A_84 : memref<128x128xf32, #tpu.memory_space<vmem_shared>>) target_semaphore(%run_scoped3A : memref<!tpu.dma_semaphore, #tpu.memory_space<semaphore_mem>>)
      %dma_wait3A = arith.constant 0 : i32
      %dma_wait3A_85 = tpu.memref_slice %arg7[%add3A_8, %dma_wait3A] : memref<10240x128xf32, #tpu.memory_space<vmem_shared>> -> memref<128x128xf32, #tpu.memory_space<vmem_shared>>
      %dma_wait3A_86 = arith.constant 0 : i32
      %dma_wait3A_87 = tpu.memref_slice %arg7[%add3A_8, %dma_wait3A_86] : memref<10240x128xf32, #tpu.memory_space<vmem_shared>> -> memref<128x128xf32, #tpu.memory_space<vmem_shared>>
      tpu.wait_dma2 semaphore(%run_scoped3A : memref<!tpu.dma_semaphore, #tpu.memory_space<semaphore_mem>>) src(%arg10 : memref<128x128xf32, #tpu.memory_space<vmem>>) dst(%dma_wait3A_87 : memref<128x128xf32, #tpu.memory_space<vmem_shared>>)
      tpu.yield
    }) : () -> ()
    %mul3A_9 = arith.constant 640 : i32
    %mul3A_10 = arith.muli %arg1, %mul3A_9 : i32
    %add3A_11 = arith.constant 256 : i32
    %add3A_12 = arith.addi %mul3A_10, %add3A_11 : i32
    "tpu.region"() ({
      %run_scoped3A = tpu.sem_alloc : memref<!tpu.dma_semaphore, #tpu.memory_space<semaphore_mem>>
      %dma_start3A = arith.constant 0 : i32
      %dma_start3A_82 = tpu.memref_slice %arg7[%add3A_12, %dma_start3A] : memref<10240x128xf32, #tpu.memory_space<vmem_shared>> -> memref<128x128xf32, #tpu.memory_space<vmem_shared>>
      %dma_start3A_83 = arith.constant 0 : i32
      %dma_start3A_84 = tpu.memref_slice %arg7[%add3A_12, %dma_start3A_83] : memref<10240x128xf32, #tpu.memory_space<vmem_shared>> -> memref<128x128xf32, #tpu.memory_space<vmem_shared>>
      tpu.enqueue_dma source(%arg10 : memref<128x128xf32, #tpu.memory_space<vmem>>) target(%dma_start3A_84 : memref<128x128xf32, #tpu.memory_space<vmem_shared>>) target_semaphore(%run_scoped3A : memref<!tpu.dma_semaphore, #tpu.memory_space<semaphore_mem>>)
      %dma_wait3A = arith.constant 0 : i32
      %dma_wait3A_85 = tpu.memref_slice %arg7[%add3A_12, %dma_wait3A] : memref<10240x128xf32, #tpu.memory_space<vmem_shared>> -> memref<128x128xf32, #tpu.memory_space<vmem_shared>>
      %dma_wait3A_86 = arith.constant 0 : i32
      %dma_wait3A_87 = tpu.memref_slice %arg7[%add3A_12, %dma_wait3A_86] : memref<10240x128xf32, #tpu.memory_space<vmem_shared>> -> memref<128x128xf32, #tpu.memory_space<vmem_shared>>
      tpu.wait_dma2 semaphore(%run_scoped3A : memref<!tpu.dma_semaphore, #tpu.memory_space<semaphore_mem>>) src(%arg10 : memref<128x128xf32, #tpu.memory_space<vmem>>) dst(%dma_wait3A_87 : memref<128x128xf32, #tpu.memory_space<vmem_shared>>)
      tpu.yield
    }) : () -> ()
    %mul3A_13 = arith.constant 640 : i32
    %mul3A_14 = arith.muli %arg1, %mul3A_13 : i32
    %add3A_15 = arith.constant 384 : i32
    %add3A_16 = arith.addi %mul3A_14, %add3A_15 : i32
    "tpu.region"() ({
      %run_scoped3A = tpu.sem_alloc : memref<!tpu.dma_semaphore, #tpu.memory_space<semaphore_mem>>
      %dma_start3A = arith.constant 0 : i32
      %dma_start3A_82 = tpu.memref_slice %arg7[%add3A_16, %dma_start3A] : memref<10240x128xf32, #tpu.memory_space<vmem_shared>> -> memref<128x128xf32, #tpu.memory_space<vmem_shared>>
      %dma_start3A_83 = arith.constant 0 : i32
      %dma_start3A_84 = tpu.memref_slice %arg7[%add3A_16, %dma_start3A_83] : memref<10240x128xf32, #tpu.memory_space<vmem_shared>> -> memref<128x128xf32, #tpu.memory_space<vmem_shared>>
      tpu.enqueue_dma source(%arg10 : memref<128x128xf32, #tpu.memory_space<vmem>>) target(%dma_start3A_84 : memref<128x128xf32, #tpu.memory_space<vmem_shared>>) target_semaphore(%run_scoped3A : memref<!tpu.dma_semaphore, #tpu.memory_space<semaphore_mem>>)
      %dma_wait3A = arith.constant 0 : i32
      %dma_wait3A_85 = tpu.memref_slice %arg7[%add3A_16, %dma_wait3A] : memref<10240x128xf32, #tpu.memory_space<vmem_shared>> -> memref<128x128xf32, #tpu.memory_space<vmem_shared>>
      %dma_wait3A_86 = arith.constant 0 : i32
      %dma_wait3A_87 = tpu.memref_slice %arg7[%add3A_16, %dma_wait3A_86] : memref<10240x128xf32, #tpu.memory_space<vmem_shared>> -> memref<128x128xf32, #tpu.memory_space<vmem_shared>>
      tpu.wait_dma2 semaphore(%run_scoped3A : memref<!tpu.dma_semaphore, #tpu.memory_space<semaphore_mem>>) src(%arg10 : memref<128x128xf32, #tpu.memory_space<vmem>>) dst(%dma_wait3A_87 : memref<128x128xf32, #tpu.memory_space<vmem_shared>>)
      tpu.yield
    }) : () -> ()
    %mul3A_17 = arith.constant 640 : i32
    %mul3A_18 = arith.muli %arg1, %mul3A_17 : i32
    %add3A_19 = arith.constant 512 : i32
    %add3A_20 = arith.addi %mul3A_18, %add3A_19 : i32
    "tpu.region"() ({
      %run_scoped3A = tpu.sem_alloc : memref<!tpu.dma_semaphore, #tpu.memory_space<semaphore_mem>>
      %dma_start3A = arith.constant 0 : i32
      %dma_start3A_82 = tpu.memref_slice %arg7[%add3A_20, %dma_start3A] : memref<10240x128xf32, #tpu.memory_space<vmem_shared>> -> memref<128x128xf32, #tpu.memory_space<vmem_shared>>
      %dma_start3A_83 = arith.constant 0 : i32
      %dma_start3A_84 = tpu.memref_slice %arg7[%add3A_20, %dma_start3A_83] : memref<10240x128xf32, #tpu.memory_space<vmem_shared>> -> memref<128x128xf32, #tpu.memory_space<vmem_shared>>
      tpu.enqueue_dma source(%arg10 : memref<128x128xf32, #tpu.memory_space<vmem>>) target(%dma_start3A_84 : memref<128x128xf32, #tpu.memory_space<vmem_shared>>) target_semaphore(%run_scoped3A : memref<!tpu.dma_semaphore, #tpu.memory_space<semaphore_mem>>)
      %dma_wait3A = arith.constant 0 : i32
      %dma_wait3A_85 = tpu.memref_slice %arg7[%add3A_20, %dma_wait3A] : memref<10240x128xf32, #tpu.memory_space<vmem_shared>> -> memref<128x128xf32, #tpu.memory_space<vmem_shared>>
      %dma_wait3A_86 = arith.constant 0 : i32
      %dma_wait3A_87 = tpu.memref_slice %arg7[%add3A_20, %dma_wait3A_86] : memref<10240x128xf32, #tpu.memory_space<vmem_shared>> -> memref<128x128xf32, #tpu.memory_space<vmem_shared>>
      tpu.wait_dma2 semaphore(%run_scoped3A : memref<!tpu.dma_semaphore, #tpu.memory_space<semaphore_mem>>) src(%arg10 : memref<128x128xf32, #tpu.memory_space<vmem>>) dst(%dma_wait3A_87 : memref<128x128xf32, #tpu.memory_space<vmem_shared>>)
      tpu.yield
    }) : () -> ()
    %barrier3A = arith.constant 0 : index
    tpu.barrier barrier_id(%barrier3A)
    %scan3A = arith.constant 0 : i32
    %scan3A_21 = arith.constant 0 : i32
    %scan3A_22 = arith.constant 79 : i32
    %scan3A_23 = arith.addi %scan3A_21, %scan3A_22 : i32
    %scan3A_24 = arith.constant 1 : i32
    scf.for %scan3A_82 = %scan3A_21 to %scan3A_23 step %scan3A_24  : i32 {
      %mul3A_83 = arith.constant 10112 : i32
      %mul3A_84 = arith.muli %add3A, %mul3A_83 : i32
      %mul3A_85 = arith.constant 128 : i32
      %mul3A_86 = arith.muli %scan3A_82, %mul3A_85 : i32
      %add3A_87 = arith.addi %mul3A_84, %mul3A_86 : i32
      "tpu.region"() ({
        %run_scoped3A = tpu.sem_alloc : memref<!tpu.dma_semaphore, #tpu.memory_space<semaphore_mem>>
        %dma_start3A_92 = tpu.memref_slice %arg3[%add3A_87] : memref<323584xi32, #tpu.memory_space<hbm>> -> memref<128xi32, #tpu.memory_space<hbm>>
        %dma_start3A_93 = tpu.memref_slice %arg3[%add3A_87] : memref<323584xi32, #tpu.memory_space<hbm>> -> memref<128xi32, #tpu.memory_space<hbm>>
        tpu.enqueue_dma source(%dma_start3A_93 : memref<128xi32, #tpu.memory_space<hbm>>) target(%arg8 : memref<128xi32, #tpu.memory_space<vmem>>) target_semaphore(%run_scoped3A : memref<!tpu.dma_semaphore, #tpu.memory_space<semaphore_mem>>)
        %dma_wait3A_94 = tpu.memref_slice %arg3[%add3A_87] : memref<323584xi32, #tpu.memory_space<hbm>> -> memref<128xi32, #tpu.memory_space<hbm>>
        %dma_wait3A_95 = tpu.memref_slice %arg3[%add3A_87] : memref<323584xi32, #tpu.memory_space<hbm>> -> memref<128xi32, #tpu.memory_space<hbm>>
        tpu.wait_dma2 semaphore(%run_scoped3A : memref<!tpu.dma_semaphore, #tpu.memory_space<semaphore_mem>>) src(%dma_wait3A_95 : memref<128xi32, #tpu.memory_space<hbm>>) dst(%arg8 : memref<128xi32, #tpu.memory_space<vmem>>)
        tpu.yield
      }) : () -> ()
      "tpu.region"() ({
        %run_scoped3A = tpu.sem_alloc : memref<!tpu.dma_semaphore, #tpu.memory_space<semaphore_mem>>
        %dma_start3A_92 = tpu.memref_slice %arg4[%add3A_87] : memref<323584xi32, #tpu.memory_space<hbm>> -> memref<128xi32, #tpu.memory_space<hbm>>
        %dma_start3A_93 = tpu.memref_slice %arg4[%add3A_87] : memref<323584xi32, #tpu.memory_space<hbm>> -> memref<128xi32, #tpu.memory_space<hbm>>
        tpu.enqueue_dma source(%dma_start3A_93 : memref<128xi32, #tpu.memory_space<hbm>>) target(%arg9 : memref<128xi32, #tpu.memory_space<vmem>>) target_semaphore(%run_scoped3A : memref<!tpu.dma_semaphore, #tpu.memory_space<semaphore_mem>>)
        %dma_wait3A_94 = tpu.memref_slice %arg4[%add3A_87] : memref<323584xi32, #tpu.memory_space<hbm>> -> memref<128xi32, #tpu.memory_space<hbm>>
        %dma_wait3A_95 = tpu.memref_slice %arg4[%add3A_87] : memref<323584xi32, #tpu.memory_space<hbm>> -> memref<128xi32, #tpu.memory_space<hbm>>
        tpu.wait_dma2 semaphore(%run_scoped3A : memref<!tpu.dma_semaphore, #tpu.memory_space<semaphore_mem>>) src(%dma_wait3A_95 : memref<128xi32, #tpu.memory_space<hbm>>) dst(%arg9 : memref<128xi32, #tpu.memory_space<vmem>>)
        tpu.yield
      }) : () -> ()
      %dma_start3A = arith.constant 0 : i32
      %dma_start3A_88 = arith.constant 0 : i32
      %dma_start3A_89 = tpu.memref_slice %arg2[%dma_start3A, %dma_start3A_88] : memref<10000x128xf32, #tpu.memory_space<hbm>> -> memref<10000x128xf32, #tpu.memory_space<hbm>>
      tpu.enqueue_indirect_dma source(%dma_start3A_89 : memref<10000x128xf32, #tpu.memory_space<hbm>>) target(%arg10 : memref<128x128xf32, #tpu.memory_space<vmem>>) offsets(%arg8 : memref<128xi32, #tpu.memory_space<vmem>>) semaphore(%arg11 : memref<!tpu.dma_semaphore, #tpu.memory_space<semaphore_mem>>)
      %dma_wait3A = arith.constant 0 : i32
      %dma_wait3A_90 = arith.constant 0 : i32
      %dma_wait3A_91 = tpu.memref_slice %arg2[%dma_wait3A, %dma_wait3A_90] : memref<10000x128xf32, #tpu.memory_space<hbm>> -> memref<10000x128xf32, #tpu.memory_space<hbm>>
      tpu.wait_indirect_dma semaphore(%arg11 : memref<!tpu.dma_semaphore, #tpu.memory_space<semaphore_mem>>) src(%dma_wait3A_91 : memref<10000x128xf32, #tpu.memory_space<hbm>>) dst(%arg10 : memref<128x128xf32, #tpu.memory_space<vmem>>)
      "tpu.region"() ({
        %run_scoped3A = tpu.sem_alloc : memref<!tpu.dma_semaphore, #tpu.memory_space<semaphore_mem>>
        %dma_start3A_92 = arith.constant 0 : i32
        %dma_start3A_93 = arith.constant 0 : i32
        %dma_start3A_94 = tpu.memref_slice %arg7[%dma_start3A_92, %dma_start3A_93] : memref<10240x128xf32, #tpu.memory_space<vmem_shared>> -> memref<10240x128xf32, #tpu.memory_space<vmem_shared>>
        tpu.enqueue_indirect_dma source(%arg10 : memref<128x128xf32, #tpu.memory_space<vmem>>) target(%dma_start3A_94 : memref<10240x128xf32, #tpu.memory_space<vmem_shared>>) offsets(%arg9 : memref<128xi32, #tpu.memory_space<vmem>>) semaphore(%run_scoped3A : memref<!tpu.dma_semaphore, #tpu.memory_space<semaphore_mem>>) {add = true}
        %dma_wait3A_95 = arith.constant 0 : i32
        %dma_wait3A_96 = arith.constant 0 : i32
        %dma_wait3A_97 = tpu.memref_slice %arg7[%dma_wait3A_95, %dma_wait3A_96] : memref<10240x128xf32, #tpu.memory_space<vmem_shared>> -> memref<10240x128xf32, #tpu.memory_space<vmem_shared>>
        tpu.wait_indirect_dma semaphore(%run_scoped3A : memref<!tpu.dma_semaphore, #tpu.memory_space<semaphore_mem>>) src(%arg10 : memref<128x128xf32, #tpu.memory_space<vmem>>) dst(%dma_wait3A_97 : memref<10240x128xf32, #tpu.memory_space<vmem_shared>>)
        tpu.yield
      }) : () -> ()
    }
    %scan3A_25 = arith.constant 79 : i32
    %barrier3A_26 = arith.constant 0 : index
    tpu.barrier barrier_id(%barrier3A_26)
    %mul3A_27 = arith.constant 640 : i32
    %mul3A_28 = arith.muli %arg1, %mul3A_27 : i32
    %add3A_29 = arith.constant 0 : i32
    %add3A_30 = arith.addi %mul3A_28, %add3A_29 : i32
    "tpu.region"() ({
      %run_scoped3A = tpu.sem_alloc : memref<!tpu.dma_semaphore, #tpu.memory_space<semaphore_mem>>
      %dma_start3A = arith.constant 0 : i32
      %dma_start3A_82 = tpu.memref_slice %arg7[%add3A_30, %dma_start3A] : memref<10240x128xf32, #tpu.memory_space<vmem_shared>> -> memref<128x128xf32, #tpu.memory_space<vmem_shared>>
      %dma_start3A_83 = arith.constant 0 : i32
      %dma_start3A_84 = tpu.memref_slice %arg7[%add3A_30, %dma_start3A_83] : memref<10240x128xf32, #tpu.memory_space<vmem_shared>> -> memref<128x128xf32, #tpu.memory_space<vmem_shared>>
      tpu.enqueue_dma source(%dma_start3A_84 : memref<128x128xf32, #tpu.memory_space<vmem_shared>>) target(%arg10 : memref<128x128xf32, #tpu.memory_space<vmem>>) target_semaphore(%run_scoped3A : memref<!tpu.dma_semaphore, #tpu.memory_space<semaphore_mem>>)
      %dma_wait3A = arith.constant 0 : i32
      %dma_wait3A_85 = tpu.memref_slice %arg7[%add3A_30, %dma_wait3A] : memref<10240x128xf32, #tpu.memory_space<vmem_shared>> -> memref<128x128xf32, #tpu.memory_space<vmem_shared>>
      %dma_wait3A_86 = arith.constant 0 : i32
      %dma_wait3A_87 = tpu.memref_slice %arg7[%add3A_30, %dma_wait3A_86] : memref<10240x128xf32, #tpu.memory_space<vmem_shared>> -> memref<128x128xf32, #tpu.memory_space<vmem_shared>>
      tpu.wait_dma2 semaphore(%run_scoped3A : memref<!tpu.dma_semaphore, #tpu.memory_space<semaphore_mem>>) src(%dma_wait3A_87 : memref<128x128xf32, #tpu.memory_space<vmem_shared>>) dst(%arg10 : memref<128x128xf32, #tpu.memory_space<vmem>>)
      tpu.yield
    }) : () -> ()
    %mul3A_31 = arith.constant 10240 : i32
    %mul3A_32 = arith.muli %arg0, %mul3A_31 : i32
    %mul3A_33 = arith.constant 640 : i32
    %mul3A_34 = arith.muli %arg1, %mul3A_33 : i32
    %add3A_35 = arith.addi %mul3A_32, %mul3A_34 : i32
    %add3A_36 = arith.constant 0 : i32
    %add3A_37 = arith.addi %add3A_35, %add3A_36 : i32
    "tpu.region"() ({
      %run_scoped3A = tpu.sem_alloc : memref<!tpu.dma_semaphore, #tpu.memory_space<semaphore_mem>>
      %dma_start3A = arith.constant 0 : i32
      %dma_start3A_82 = tpu.memref_slice %arg6[%add3A_37, %dma_start3A] : memref<20480x128xf32, #tpu.memory_space<hbm>> -> memref<128x128xf32, #tpu.memory_space<hbm>>
      %dma_start3A_83 = arith.constant 0 : i32
      %dma_start3A_84 = tpu.memref_slice %arg6[%add3A_37, %dma_start3A_83] : memref<20480x128xf32, #tpu.memory_space<hbm>> -> memref<128x128xf32, #tpu.memory_space<hbm>>
      tpu.enqueue_dma source(%arg10 : memref<128x128xf32, #tpu.memory_space<vmem>>) target(%dma_start3A_84 : memref<128x128xf32, #tpu.memory_space<hbm>>) target_semaphore(%run_scoped3A : memref<!tpu.dma_semaphore, #tpu.memory_space<semaphore_mem>>)
      %dma_wait3A = arith.constant 0 : i32
      %dma_wait3A_85 = tpu.memref_slice %arg6[%add3A_37, %dma_wait3A] : memref<20480x128xf32, #tpu.memory_space<hbm>> -> memref<128x128xf32, #tpu.memory_space<hbm>>
      %dma_wait3A_86 = arith.constant 0 : i32
      %dma_wait3A_87 = tpu.memref_slice %arg6[%add3A_37, %dma_wait3A_86] : memref<20480x128xf32, #tpu.memory_space<hbm>> -> memref<128x128xf32, #tpu.memory_space<hbm>>
      tpu.wait_dma2 semaphore(%run_scoped3A : memref<!tpu.dma_semaphore, #tpu.memory_space<semaphore_mem>>) src(%arg10 : memref<128x128xf32, #tpu.memory_space<vmem>>) dst(%dma_wait3A_87 : memref<128x128xf32, #tpu.memory_space<hbm>>)
      tpu.yield
    }) : () -> ()
    %mul3A_38 = arith.constant 640 : i32
    %mul3A_39 = arith.muli %arg1, %mul3A_38 : i32
    %add3A_40 = arith.constant 128 : i32
    %add3A_41 = arith.addi %mul3A_39, %add3A_40 : i32
    "tpu.region"() ({
      %run_scoped3A = tpu.sem_alloc : memref<!tpu.dma_semaphore, #tpu.memory_space<semaphore_mem>>
      %dma_start3A = arith.constant 0 : i32
      %dma_start3A_82 = tpu.memref_slice %arg7[%add3A_41, %dma_start3A] : memref<10240x128xf32, #tpu.memory_space<vmem_shared>> -> memref<128x128xf32, #tpu.memory_space<vmem_shared>>
      %dma_start3A_83 = arith.constant 0 : i32
      %dma_start3A_84 = tpu.memref_slice %arg7[%add3A_41, %dma_start3A_83] : memref<10240x128xf32, #tpu.memory_space<vmem_shared>> -> memref<128x128xf32, #tpu.memory_space<vmem_shared>>
      tpu.enqueue_dma source(%dma_start3A_84 : memref<128x128xf32, #tpu.memory_space<vmem_shared>>) target(%arg10 : memref<128x128xf32, #tpu.memory_space<vmem>>) target_semaphore(%run_scoped3A : memref<!tpu.dma_semaphore, #tpu.memory_space<semaphore_mem>>)
      %dma_wait3A = arith.constant 0 : i32
      %dma_wait3A_85 = tpu.memref_slice %arg7[%add3A_41, %dma_wait3A] : memref<10240x128xf32, #tpu.memory_space<vmem_shared>> -> memref<128x128xf32, #tpu.memory_space<vmem_shared>>
      %dma_wait3A_86 = arith.constant 0 : i32
      %dma_wait3A_87 = tpu.memref_slice %arg7[%add3A_41, %dma_wait3A_86] : memref<10240x128xf32, #tpu.memory_space<vmem_shared>> -> memref<128x128xf32, #tpu.memory_space<vmem_shared>>
      tpu.wait_dma2 semaphore(%run_scoped3A : memref<!tpu.dma_semaphore, #tpu.memory_space<semaphore_mem>>) src(%dma_wait3A_87 : memref<128x128xf32, #tpu.memory_space<vmem_shared>>) dst(%arg10 : memref<128x128xf32, #tpu.memory_space<vmem>>)
      tpu.yield
    }) : () -> ()
    %mul3A_42 = arith.constant 10240 : i32
    %mul3A_43 = arith.muli %arg0, %mul3A_42 : i32
    %mul3A_44 = arith.constant 640 : i32
    %mul3A_45 = arith.muli %arg1, %mul3A_44 : i32
    %add3A_46 = arith.addi %mul3A_43, %mul3A_45 : i32
    %add3A_47 = arith.constant 128 : i32
    %add3A_48 = arith.addi %add3A_46, %add3A_47 : i32
    "tpu.region"() ({
      %run_scoped3A = tpu.sem_alloc : memref<!tpu.dma_semaphore, #tpu.memory_space<semaphore_mem>>
      %dma_start3A = arith.constant 0 : i32
      %dma_start3A_82 = tpu.memref_slice %arg6[%add3A_48, %dma_start3A] : memref<20480x128xf32, #tpu.memory_space<hbm>> -> memref<128x128xf32, #tpu.memory_space<hbm>>
      %dma_start3A_83 = arith.constant 0 : i32
      %dma_start3A_84 = tpu.memref_slice %arg6[%add3A_48, %dma_start3A_83] : memref<20480x128xf32, #tpu.memory_space<hbm>> -> memref<128x128xf32, #tpu.memory_space<hbm>>
      tpu.enqueue_dma source(%arg10 : memref<128x128xf32, #tpu.memory_space<vmem>>) target(%dma_start3A_84 : memref<128x128xf32, #tpu.memory_space<hbm>>) target_semaphore(%run_scoped3A : memref<!tpu.dma_semaphore, #tpu.memory_space<semaphore_mem>>)
      %dma_wait3A = arith.constant 0 : i32
      %dma_wait3A_85 = tpu.memref_slice %arg6[%add3A_48, %dma_wait3A] : memref<20480x128xf32, #tpu.memory_space<hbm>> -> memref<128x128xf32, #tpu.memory_space<hbm>>
      %dma_wait3A_86 = arith.constant 0 : i32
      %dma_wait3A_87 = tpu.memref_slice %arg6[%add3A_48, %dma_wait3A_86] : memref<20480x128xf32, #tpu.memory_space<hbm>> -> memref<128x128xf32, #tpu.memory_space<hbm>>
      tpu.wait_dma2 semaphore(%run_scoped3A : memref<!tpu.dma_semaphore, #tpu.memory_space<semaphore_mem>>) src(%arg10 : memref<128x128xf32, #tpu.memory_space<vmem>>) dst(%dma_wait3A_87 : memref<128x128xf32, #tpu.memory_space<hbm>>)
      tpu.yield
    }) : () -> ()
    %mul3A_49 = arith.constant 640 : i32
    %mul3A_50 = arith.muli %arg1, %mul3A_49 : i32
    %add3A_51 = arith.constant 256 : i32
    %add3A_52 = arith.addi %mul3A_50, %add3A_51 : i32
    "tpu.region"() ({
      %run_scoped3A = tpu.sem_alloc : memref<!tpu.dma_semaphore, #tpu.memory_space<semaphore_mem>>
      %dma_start3A = arith.constant 0 : i32
      %dma_start3A_82 = tpu.memref_slice %arg7[%add3A_52, %dma_start3A] : memref<10240x128xf32, #tpu.memory_space<vmem_shared>> -> memref<128x128xf32, #tpu.memory_space<vmem_shared>>
      %dma_start3A_83 = arith.constant 0 : i32
      %dma_start3A_84 = tpu.memref_slice %arg7[%add3A_52, %dma_start3A_83] : memref<10240x128xf32, #tpu.memory_space<vmem_shared>> -> memref<128x128xf32, #tpu.memory_space<vmem_shared>>
      tpu.enqueue_dma source(%dma_start3A_84 : memref<128x128xf32, #tpu.memory_space<vmem_shared>>) target(%arg10 : memref<128x128xf32, #tpu.memory_space<vmem>>) target_semaphore(%run_scoped3A : memref<!tpu.dma_semaphore, #tpu.memory_space<semaphore_mem>>)
      %dma_wait3A = arith.constant 0 : i32
      %dma_wait3A_85 = tpu.memref_slice %arg7[%add3A_52, %dma_wait3A] : memref<10240x128xf32, #tpu.memory_space<vmem_shared>> -> memref<128x128xf32, #tpu.memory_space<vmem_shared>>
      %dma_wait3A_86 = arith.constant 0 : i32
      %dma_wait3A_87 = tpu.memref_slice %arg7[%add3A_52, %dma_wait3A_86] : memref<10240x128xf32, #tpu.memory_space<vmem_shared>> -> memref<128x128xf32, #tpu.memory_space<vmem_shared>>
      tpu.wait_dma2 semaphore(%run_scoped3A : memref<!tpu.dma_semaphore, #tpu.memory_space<semaphore_mem>>) src(%dma_wait3A_87 : memref<128x128xf32, #tpu.memory_space<vmem_shared>>) dst(%arg10 : memref<128x128xf32, #tpu.memory_space<vmem>>)
      tpu.yield
    }) : () -> ()
    %mul3A_53 = arith.constant 10240 : i32
    %mul3A_54 = arith.muli %arg0, %mul3A_53 : i32
    %mul3A_55 = arith.constant 640 : i32
    %mul3A_56 = arith.muli %arg1, %mul3A_55 : i32
    %add3A_57 = arith.addi %mul3A_54, %mul3A_56 : i32
    %add3A_58 = arith.constant 256 : i32
    %add3A_59 = arith.addi %add3A_57, %add3A_58 : i32
    "tpu.region"() ({
      %run_scoped3A = tpu.sem_alloc : memref<!tpu.dma_semaphore, #tpu.memory_space<semaphore_mem>>
      %dma_start3A = arith.constant 0 : i32
      %dma_start3A_82 = tpu.memref_slice %arg6[%add3A_59, %dma_start3A] : memref<20480x128xf32, #tpu.memory_space<hbm>> -> memref<128x128xf32, #tpu.memory_space<hbm>>
      %dma_start3A_83 = arith.constant 0 : i32
      %dma_start3A_84 = tpu.memref_slice %arg6[%add3A_59, %dma_start3A_83] : memref<20480x128xf32, #tpu.memory_space<hbm>> -> memref<128x128xf32, #tpu.memory_space<hbm>>
      tpu.enqueue_dma source(%arg10 : memref<128x128xf32, #tpu.memory_space<vmem>>) target(%dma_start3A_84 : memref<128x128xf32, #tpu.memory_space<hbm>>) target_semaphore(%run_scoped3A : memref<!tpu.dma_semaphore, #tpu.memory_space<semaphore_mem>>)
      %dma_wait3A = arith.constant 0 : i32
      %dma_wait3A_85 = tpu.memref_slice %arg6[%add3A_59, %dma_wait3A] : memref<20480x128xf32, #tpu.memory_space<hbm>> -> memref<128x128xf32, #tpu.memory_space<hbm>>
      %dma_wait3A_86 = arith.constant 0 : i32
      %dma_wait3A_87 = tpu.memref_slice %arg6[%add3A_59, %dma_wait3A_86] : memref<20480x128xf32, #tpu.memory_space<hbm>> -> memref<128x128xf32, #tpu.memory_space<hbm>>
      tpu.wait_dma2 semaphore(%run_scoped3A : memref<!tpu.dma_semaphore, #tpu.memory_space<semaphore_mem>>) src(%arg10 : memref<128x128xf32, #tpu.memory_space<vmem>>) dst(%dma_wait3A_87 : memref<128x128xf32, #tpu.memory_space<hbm>>)
      tpu.yield
    }) : () -> ()
    %mul3A_60 = arith.constant 640 : i32
    %mul3A_61 = arith.muli %arg1, %mul3A_60 : i32
    %add3A_62 = arith.constant 384 : i32
    %add3A_63 = arith.addi %mul3A_61, %add3A_62 : i32
    "tpu.region"() ({
      %run_scoped3A = tpu.sem_alloc : memref<!tpu.dma_semaphore, #tpu.memory_space<semaphore_mem>>
      %dma_start3A = arith.constant 0 : i32
      %dma_start3A_82 = tpu.memref_slice %arg7[%add3A_63, %dma_start3A] : memref<10240x128xf32, #tpu.memory_space<vmem_shared>> -> memref<128x128xf32, #tpu.memory_space<vmem_shared>>
      %dma_start3A_83 = arith.constant 0 : i32
      %dma_start3A_84 = tpu.memref_slice %arg7[%add3A_63, %dma_start3A_83] : memref<10240x128xf32, #tpu.memory_space<vmem_shared>> -> memref<128x128xf32, #tpu.memory_space<vmem_shared>>
      tpu.enqueue_dma source(%dma_start3A_84 : memref<128x128xf32, #tpu.memory_space<vmem_shared>>) target(%arg10 : memref<128x128xf32, #tpu.memory_space<vmem>>) target_semaphore(%run_scoped3A : memref<!tpu.dma_semaphore, #tpu.memory_space<semaphore_mem>>)
      %dma_wait3A = arith.constant 0 : i32
      %dma_wait3A_85 = tpu.memref_slice %arg7[%add3A_63, %dma_wait3A] : memref<10240x128xf32, #tpu.memory_space<vmem_shared>> -> memref<128x128xf32, #tpu.memory_space<vmem_shared>>
      %dma_wait3A_86 = arith.constant 0 : i32
      %dma_wait3A_87 = tpu.memref_slice %arg7[%add3A_63, %dma_wait3A_86] : memref<10240x128xf32, #tpu.memory_space<vmem_shared>> -> memref<128x128xf32, #tpu.memory_space<vmem_shared>>
      tpu.wait_dma2 semaphore(%run_scoped3A : memref<!tpu.dma_semaphore, #tpu.memory_space<semaphore_mem>>) src(%dma_wait3A_87 : memref<128x128xf32, #tpu.memory_space<vmem_shared>>) dst(%arg10 : memref<128x128xf32, #tpu.memory_space<vmem>>)
      tpu.yield
    }) : () -> ()
    %mul3A_64 = arith.constant 10240 : i32
    %mul3A_65 = arith.muli %arg0, %mul3A_64 : i32
    %mul3A_66 = arith.constant 640 : i32
    %mul3A_67 = arith.muli %arg1, %mul3A_66 : i32
    %add3A_68 = arith.addi %mul3A_65, %mul3A_67 : i32
    %add3A_69 = arith.constant 384 : i32
    %add3A_70 = arith.addi %add3A_68, %add3A_69 : i32
    "tpu.region"() ({
      %run_scoped3A = tpu.sem_alloc : memref<!tpu.dma_semaphore, #tpu.memory_space<semaphore_mem>>
      %dma_start3A = arith.constant 0 : i32
      %dma_start3A_82 = tpu.memref_slice %arg6[%add3A_70, %dma_start3A] : memref<20480x128xf32, #tpu.memory_space<hbm>> -> memref<128x128xf32, #tpu.memory_space<hbm>>
      %dma_start3A_83 = arith.constant 0 : i32
      %dma_start3A_84 = tpu.memref_slice %arg6[%add3A_70, %dma_start3A_83] : memref<20480x128xf32, #tpu.memory_space<hbm>> -> memref<128x128xf32, #tpu.memory_space<hbm>>
      tpu.enqueue_dma source(%arg10 : memref<128x128xf32, #tpu.memory_space<vmem>>) target(%dma_start3A_84 : memref<128x128xf32, #tpu.memory_space<hbm>>) target_semaphore(%run_scoped3A : memref<!tpu.dma_semaphore, #tpu.memory_space<semaphore_mem>>)
      %dma_wait3A = arith.constant 0 : i32
      %dma_wait3A_85 = tpu.memref_slice %arg6[%add3A_70, %dma_wait3A] : memref<20480x128xf32, #tpu.memory_space<hbm>> -> memref<128x128xf32, #tpu.memory_space<hbm>>
      %dma_wait3A_86 = arith.constant 0 : i32
      %dma_wait3A_87 = tpu.memref_slice %arg6[%add3A_70, %dma_wait3A_86] : memref<20480x128xf32, #tpu.memory_space<hbm>> -> memref<128x128xf32, #tpu.memory_space<hbm>>
      tpu.wait_dma2 semaphore(%run_scoped3A : memref<!tpu.dma_semaphore, #tpu.memory_space<semaphore_mem>>) src(%arg10 : memref<128x128xf32, #tpu.memory_space<vmem>>) dst(%dma_wait3A_87 : memref<128x128xf32, #tpu.memory_space<hbm>>)
      tpu.yield
    }) : () -> ()
    %mul3A_71 = arith.constant 640 : i32
    %mul3A_72 = arith.muli %arg1, %mul3A_71 : i32
    %add3A_73 = arith.constant 512 : i32
    %add3A_74 = arith.addi %mul3A_72, %add3A_73 : i32
    "tpu.region"() ({
      %run_scoped3A = tpu.sem_alloc : memref<!tpu.dma_semaphore, #tpu.memory_space<semaphore_mem>>
      %dma_start3A = arith.constant 0 : i32
      %dma_start3A_82 = tpu.memref_slice %arg7[%add3A_74, %dma_start3A] : memref<10240x128xf32, #tpu.memory_space<vmem_shared>> -> memref<128x128xf32, #tpu.memory_space<vmem_shared>>
      %dma_start3A_83 = arith.constant 0 : i32
      %dma_start3A_84 = tpu.memref_slice %arg7[%add3A_74, %dma_start3A_83] : memref<10240x128xf32, #tpu.memory_space<vmem_shared>> -> memref<128x128xf32, #tpu.memory_space<vmem_shared>>
      tpu.enqueue_dma source(%dma_start3A_84 : memref<128x128xf32, #tpu.memory_space<vmem_shared>>) target(%arg10 : memref<128x128xf32, #tpu.memory_space<vmem>>) target_semaphore(%run_scoped3A : memref<!tpu.dma_semaphore, #tpu.memory_space<semaphore_mem>>)
      %dma_wait3A = arith.constant 0 : i32
      %dma_wait3A_85 = tpu.memref_slice %arg7[%add3A_74, %dma_wait3A] : memref<10240x128xf32, #tpu.memory_space<vmem_shared>> -> memref<128x128xf32, #tpu.memory_space<vmem_shared>>
      %dma_wait3A_86 = arith.constant 0 : i32
      %dma_wait3A_87 = tpu.memref_slice %arg7[%add3A_74, %dma_wait3A_86] : memref<10240x128xf32, #tpu.memory_space<vmem_shared>> -> memref<128x128xf32, #tpu.memory_space<vmem_shared>>
      tpu.wait_dma2 semaphore(%run_scoped3A : memref<!tpu.dma_semaphore, #tpu.memory_space<semaphore_mem>>) src(%dma_wait3A_87 : memref<128x128xf32, #tpu.memory_space<vmem_shared>>) dst(%arg10 : memref<128x128xf32, #tpu.memory_space<vmem>>)
      tpu.yield
    }) : () -> ()
    %mul3A_75 = arith.constant 10240 : i32
    %mul3A_76 = arith.muli %arg0, %mul3A_75 : i32
    %mul3A_77 = arith.constant 640 : i32
    %mul3A_78 = arith.muli %arg1, %mul3A_77 : i32
    %add3A_79 = arith.addi %mul3A_76, %mul3A_78 : i32
    %add3A_80 = arith.constant 512 : i32
    %add3A_81 = arith.addi %add3A_79, %add3A_80 : i32
    "tpu.region"() ({
      %run_scoped3A = tpu.sem_alloc : memref<!tpu.dma_semaphore, #tpu.memory_space<semaphore_mem>>
      %dma_start3A = arith.constant 0 : i32
      %dma_start3A_82 = tpu.memref_slice %arg6[%add3A_81, %dma_start3A] : memref<20480x128xf32, #tpu.memory_space<hbm>> -> memref<128x128xf32, #tpu.memory_space<hbm>>
      %dma_start3A_83 = arith.constant 0 : i32
      %dma_start3A_84 = tpu.memref_slice %arg6[%add3A_81, %dma_start3A_83] : memref<20480x128xf32, #tpu.memory_space<hbm>> -> memref<128x128xf32, #tpu.memory_space<hbm>>
      tpu.enqueue_dma source(%arg10 : memref<128x128xf32, #tpu.memory_space<vmem>>) target(%dma_start3A_84 : memref<128x128xf32, #tpu.memory_space<hbm>>) target_semaphore(%run_scoped3A : memref<!tpu.dma_semaphore, #tpu.memory_space<semaphore_mem>>)
      %dma_wait3A = arith.constant 0 : i32
      %dma_wait3A_85 = tpu.memref_slice %arg6[%add3A_81, %dma_wait3A] : memref<20480x128xf32, #tpu.memory_space<hbm>> -> memref<128x128xf32, #tpu.memory_space<hbm>>
      %dma_wait3A_86 = arith.constant 0 : i32
      %dma_wait3A_87 = tpu.memref_slice %arg6[%add3A_81, %dma_wait3A_86] : memref<20480x128xf32, #tpu.memory_space<hbm>> -> memref<128x128xf32, #tpu.memory_space<hbm>>
      tpu.wait_dma2 semaphore(%run_scoped3A : memref<!tpu.dma_semaphore, #tpu.memory_space<semaphore_mem>>) src(%arg10 : memref<128x128xf32, #tpu.memory_space<vmem>>) dst(%dma_wait3A_87 : memref<128x128xf32, #tpu.memory_space<hbm>>)
      tpu.yield
    }) : () -> ()
    return
  }
}

#map = affine_map<(d0, d1) -> (0, 0)>
#map1 = affine_map<(d0, d1) -> (0)>
module attributes {stable_mosaic.version = 14 : i64} {
  func.func @body(%arg0: i32, %arg1: i32, %arg2: memref<10000x128xf32, #tpu.memory_space<hbm>>, %arg3: memref<323584xi32, #tpu.memory_space<hbm>>, %arg4: memref<323584xi32, #tpu.memory_space<hbm>>, %arg5: memref<128x128xf32, #tpu.memory_space<hbm>>, %arg6: memref<640xf32, #tpu.memory_space<hbm>>, %arg7: memref<128xf32, #tpu.memory_space<hbm>>, %arg8: memref<20480x128xf32, #tpu.memory_space<hbm>>, %arg9: memref<20480xf32, #tpu.memory_space<hbm>>, %arg10: memref<10240x128xf32, #tpu.memory_space<vmem_shared>>, %arg11: memref<10240xf32, #tpu.memory_space<vmem_shared>>, %arg12: memref<128xi32, #tpu.memory_space<vmem>>, %arg13: memref<128xi32, #tpu.memory_space<vmem>>, %arg14: memref<128x128xf32, #tpu.memory_space<vmem>>, %arg15: memref<128xf32, #tpu.memory_space<vmem>>, %arg16: memref<640xf32, #tpu.memory_space<vmem>>, %arg17: memref<!tpu.dma_semaphore, #tpu.memory_space<semaphore_mem>>) attributes {dimension_semantics = [#tpu.dimension_semantics<core_parallel>, #tpu.dimension_semantics<subcore_parallel>], iteration_bounds = array<i64: 2, 16>, scalar_prefetch = 0 : i64, scratch_operands = 8 : i64, tpu.core_type = #tpu.core_type<sc_vector_subcore>, window_params = [{transform_indices = #map}, {transform_indices = #map1}, {transform_indices = #map1}, {transform_indices = #map}, {transform_indices = #map1}, {transform_indices = #map1}, {transform_indices = #map}, {transform_indices = #map1}]} {
    %mul3A = arith.constant 2 : i32
    %mul3A_0 = arith.muli %arg1, %mul3A : i32
    %add3A = arith.addi %mul3A_0, %arg0 : i32
    "tpu.region"() ({
      %run_scoped3A = tpu.sem_alloc : memref<!tpu.dma_semaphore, #tpu.memory_space<semaphore_mem>>
      tpu.enqueue_dma source(%arg5 : memref<128x128xf32, #tpu.memory_space<hbm>>) target(%arg14 : memref<128x128xf32, #tpu.memory_space<vmem>>) target_semaphore(%run_scoped3A : memref<!tpu.dma_semaphore, #tpu.memory_space<semaphore_mem>>)
      tpu.wait_dma2 semaphore(%run_scoped3A : memref<!tpu.dma_semaphore, #tpu.memory_space<semaphore_mem>>) src(%arg5 : memref<128x128xf32, #tpu.memory_space<hbm>>) dst(%arg14 : memref<128x128xf32, #tpu.memory_space<vmem>>)
      tpu.yield
    }) : () -> ()
    %mul3A_1 = arith.constant 640 : i32
    %mul3A_2 = arith.muli %arg1, %mul3A_1 : i32
    %add3A_3 = arith.constant 0 : i32
    %add3A_4 = arith.addi %mul3A_2, %add3A_3 : i32
    "tpu.region"() ({
      %run_scoped3A = tpu.sem_alloc : memref<!tpu.dma_semaphore, #tpu.memory_space<semaphore_mem>>
      %dma_start3A = arith.constant 0 : i32
      %dma_start3A_91 = tpu.memref_slice %arg10[%add3A_4, %dma_start3A] : memref<10240x128xf32, #tpu.memory_space<vmem_shared>> -> memref<128x128xf32, #tpu.memory_space<vmem_shared>>
      %dma_start3A_92 = arith.constant 0 : i32
      %dma_start3A_93 = tpu.memref_slice %arg10[%add3A_4, %dma_start3A_92] : memref<10240x128xf32, #tpu.memory_space<vmem_shared>> -> memref<128x128xf32, #tpu.memory_space<vmem_shared>>
      tpu.enqueue_dma source(%arg14 : memref<128x128xf32, #tpu.memory_space<vmem>>) target(%dma_start3A_93 : memref<128x128xf32, #tpu.memory_space<vmem_shared>>) target_semaphore(%run_scoped3A : memref<!tpu.dma_semaphore, #tpu.memory_space<semaphore_mem>>)
      %dma_wait3A = arith.constant 0 : i32
      %dma_wait3A_94 = tpu.memref_slice %arg10[%add3A_4, %dma_wait3A] : memref<10240x128xf32, #tpu.memory_space<vmem_shared>> -> memref<128x128xf32, #tpu.memory_space<vmem_shared>>
      %dma_wait3A_95 = arith.constant 0 : i32
      %dma_wait3A_96 = tpu.memref_slice %arg10[%add3A_4, %dma_wait3A_95] : memref<10240x128xf32, #tpu.memory_space<vmem_shared>> -> memref<128x128xf32, #tpu.memory_space<vmem_shared>>
      tpu.wait_dma2 semaphore(%run_scoped3A : memref<!tpu.dma_semaphore, #tpu.memory_space<semaphore_mem>>) src(%arg14 : memref<128x128xf32, #tpu.memory_space<vmem>>) dst(%dma_wait3A_96 : memref<128x128xf32, #tpu.memory_space<vmem_shared>>)
      tpu.yield
    }) : () -> ()
    %mul3A_5 = arith.constant 640 : i32
    %mul3A_6 = arith.muli %arg1, %mul3A_5 : i32
    %add3A_7 = arith.constant 128 : i32
    %add3A_8 = arith.addi %mul3A_6, %add3A_7 : i32
    "tpu.region"() ({
      %run_scoped3A = tpu.sem_alloc : memref<!tpu.dma_semaphore, #tpu.memory_space<semaphore_mem>>
      %dma_start3A = arith.constant 0 : i32
      %dma_start3A_91 = tpu.memref_slice %arg10[%add3A_8, %dma_start3A] : memref<10240x128xf32, #tpu.memory_space<vmem_shared>> -> memref<128x128xf32, #tpu.memory_space<vmem_shared>>
      %dma_start3A_92 = arith.constant 0 : i32
      %dma_start3A_93 = tpu.memref_slice %arg10[%add3A_8, %dma_start3A_92] : memref<10240x128xf32, #tpu.memory_space<vmem_shared>> -> memref<128x128xf32, #tpu.memory_space<vmem_shared>>
      tpu.enqueue_dma source(%arg14 : memref<128x128xf32, #tpu.memory_space<vmem>>) target(%dma_start3A_93 : memref<128x128xf32, #tpu.memory_space<vmem_shared>>) target_semaphore(%run_scoped3A : memref<!tpu.dma_semaphore, #tpu.memory_space<semaphore_mem>>)
      %dma_wait3A = arith.constant 0 : i32
      %dma_wait3A_94 = tpu.memref_slice %arg10[%add3A_8, %dma_wait3A] : memref<10240x128xf32, #tpu.memory_space<vmem_shared>> -> memref<128x128xf32, #tpu.memory_space<vmem_shared>>
      %dma_wait3A_95 = arith.constant 0 : i32
      %dma_wait3A_96 = tpu.memref_slice %arg10[%add3A_8, %dma_wait3A_95] : memref<10240x128xf32, #tpu.memory_space<vmem_shared>> -> memref<128x128xf32, #tpu.memory_space<vmem_shared>>
      tpu.wait_dma2 semaphore(%run_scoped3A : memref<!tpu.dma_semaphore, #tpu.memory_space<semaphore_mem>>) src(%arg14 : memref<128x128xf32, #tpu.memory_space<vmem>>) dst(%dma_wait3A_96 : memref<128x128xf32, #tpu.memory_space<vmem_shared>>)
      tpu.yield
    }) : () -> ()
    %mul3A_9 = arith.constant 640 : i32
    %mul3A_10 = arith.muli %arg1, %mul3A_9 : i32
    %add3A_11 = arith.constant 256 : i32
    %add3A_12 = arith.addi %mul3A_10, %add3A_11 : i32
    "tpu.region"() ({
      %run_scoped3A = tpu.sem_alloc : memref<!tpu.dma_semaphore, #tpu.memory_space<semaphore_mem>>
      %dma_start3A = arith.constant 0 : i32
      %dma_start3A_91 = tpu.memref_slice %arg10[%add3A_12, %dma_start3A] : memref<10240x128xf32, #tpu.memory_space<vmem_shared>> -> memref<128x128xf32, #tpu.memory_space<vmem_shared>>
      %dma_start3A_92 = arith.constant 0 : i32
      %dma_start3A_93 = tpu.memref_slice %arg10[%add3A_12, %dma_start3A_92] : memref<10240x128xf32, #tpu.memory_space<vmem_shared>> -> memref<128x128xf32, #tpu.memory_space<vmem_shared>>
      tpu.enqueue_dma source(%arg14 : memref<128x128xf32, #tpu.memory_space<vmem>>) target(%dma_start3A_93 : memref<128x128xf32, #tpu.memory_space<vmem_shared>>) target_semaphore(%run_scoped3A : memref<!tpu.dma_semaphore, #tpu.memory_space<semaphore_mem>>)
      %dma_wait3A = arith.constant 0 : i32
      %dma_wait3A_94 = tpu.memref_slice %arg10[%add3A_12, %dma_wait3A] : memref<10240x128xf32, #tpu.memory_space<vmem_shared>> -> memref<128x128xf32, #tpu.memory_space<vmem_shared>>
      %dma_wait3A_95 = arith.constant 0 : i32
      %dma_wait3A_96 = tpu.memref_slice %arg10[%add3A_12, %dma_wait3A_95] : memref<10240x128xf32, #tpu.memory_space<vmem_shared>> -> memref<128x128xf32, #tpu.memory_space<vmem_shared>>
      tpu.wait_dma2 semaphore(%run_scoped3A : memref<!tpu.dma_semaphore, #tpu.memory_space<semaphore_mem>>) src(%arg14 : memref<128x128xf32, #tpu.memory_space<vmem>>) dst(%dma_wait3A_96 : memref<128x128xf32, #tpu.memory_space<vmem_shared>>)
      tpu.yield
    }) : () -> ()
    %mul3A_13 = arith.constant 640 : i32
    %mul3A_14 = arith.muli %arg1, %mul3A_13 : i32
    %add3A_15 = arith.constant 384 : i32
    %add3A_16 = arith.addi %mul3A_14, %add3A_15 : i32
    "tpu.region"() ({
      %run_scoped3A = tpu.sem_alloc : memref<!tpu.dma_semaphore, #tpu.memory_space<semaphore_mem>>
      %dma_start3A = arith.constant 0 : i32
      %dma_start3A_91 = tpu.memref_slice %arg10[%add3A_16, %dma_start3A] : memref<10240x128xf32, #tpu.memory_space<vmem_shared>> -> memref<128x128xf32, #tpu.memory_space<vmem_shared>>
      %dma_start3A_92 = arith.constant 0 : i32
      %dma_start3A_93 = tpu.memref_slice %arg10[%add3A_16, %dma_start3A_92] : memref<10240x128xf32, #tpu.memory_space<vmem_shared>> -> memref<128x128xf32, #tpu.memory_space<vmem_shared>>
      tpu.enqueue_dma source(%arg14 : memref<128x128xf32, #tpu.memory_space<vmem>>) target(%dma_start3A_93 : memref<128x128xf32, #tpu.memory_space<vmem_shared>>) target_semaphore(%run_scoped3A : memref<!tpu.dma_semaphore, #tpu.memory_space<semaphore_mem>>)
      %dma_wait3A = arith.constant 0 : i32
      %dma_wait3A_94 = tpu.memref_slice %arg10[%add3A_16, %dma_wait3A] : memref<10240x128xf32, #tpu.memory_space<vmem_shared>> -> memref<128x128xf32, #tpu.memory_space<vmem_shared>>
      %dma_wait3A_95 = arith.constant 0 : i32
      %dma_wait3A_96 = tpu.memref_slice %arg10[%add3A_16, %dma_wait3A_95] : memref<10240x128xf32, #tpu.memory_space<vmem_shared>> -> memref<128x128xf32, #tpu.memory_space<vmem_shared>>
      tpu.wait_dma2 semaphore(%run_scoped3A : memref<!tpu.dma_semaphore, #tpu.memory_space<semaphore_mem>>) src(%arg14 : memref<128x128xf32, #tpu.memory_space<vmem>>) dst(%dma_wait3A_96 : memref<128x128xf32, #tpu.memory_space<vmem_shared>>)
      tpu.yield
    }) : () -> ()
    %mul3A_17 = arith.constant 640 : i32
    %mul3A_18 = arith.muli %arg1, %mul3A_17 : i32
    %add3A_19 = arith.constant 512 : i32
    %add3A_20 = arith.addi %mul3A_18, %add3A_19 : i32
    "tpu.region"() ({
      %run_scoped3A = tpu.sem_alloc : memref<!tpu.dma_semaphore, #tpu.memory_space<semaphore_mem>>
      %dma_start3A = arith.constant 0 : i32
      %dma_start3A_91 = tpu.memref_slice %arg10[%add3A_20, %dma_start3A] : memref<10240x128xf32, #tpu.memory_space<vmem_shared>> -> memref<128x128xf32, #tpu.memory_space<vmem_shared>>
      %dma_start3A_92 = arith.constant 0 : i32
      %dma_start3A_93 = tpu.memref_slice %arg10[%add3A_20, %dma_start3A_92] : memref<10240x128xf32, #tpu.memory_space<vmem_shared>> -> memref<128x128xf32, #tpu.memory_space<vmem_shared>>
      tpu.enqueue_dma source(%arg14 : memref<128x128xf32, #tpu.memory_space<vmem>>) target(%dma_start3A_93 : memref<128x128xf32, #tpu.memory_space<vmem_shared>>) target_semaphore(%run_scoped3A : memref<!tpu.dma_semaphore, #tpu.memory_space<semaphore_mem>>)
      %dma_wait3A = arith.constant 0 : i32
      %dma_wait3A_94 = tpu.memref_slice %arg10[%add3A_20, %dma_wait3A] : memref<10240x128xf32, #tpu.memory_space<vmem_shared>> -> memref<128x128xf32, #tpu.memory_space<vmem_shared>>
      %dma_wait3A_95 = arith.constant 0 : i32
      %dma_wait3A_96 = tpu.memref_slice %arg10[%add3A_20, %dma_wait3A_95] : memref<10240x128xf32, #tpu.memory_space<vmem_shared>> -> memref<128x128xf32, #tpu.memory_space<vmem_shared>>
      tpu.wait_dma2 semaphore(%run_scoped3A : memref<!tpu.dma_semaphore, #tpu.memory_space<semaphore_mem>>) src(%arg14 : memref<128x128xf32, #tpu.memory_space<vmem>>) dst(%dma_wait3A_96 : memref<128x128xf32, #tpu.memory_space<vmem_shared>>)
      tpu.yield
    }) : () -> ()
    "tpu.region"() ({
      %run_scoped3A = tpu.sem_alloc : memref<!tpu.dma_semaphore, #tpu.memory_space<semaphore_mem>>
      tpu.enqueue_dma source(%arg6 : memref<640xf32, #tpu.memory_space<hbm>>) target(%arg16 : memref<640xf32, #tpu.memory_space<vmem>>) target_semaphore(%run_scoped3A : memref<!tpu.dma_semaphore, #tpu.memory_space<semaphore_mem>>)
      tpu.wait_dma2 semaphore(%run_scoped3A : memref<!tpu.dma_semaphore, #tpu.memory_space<semaphore_mem>>) src(%arg6 : memref<640xf32, #tpu.memory_space<hbm>>) dst(%arg16 : memref<640xf32, #tpu.memory_space<vmem>>)
      tpu.yield
    }) : () -> ()
    %mul3A_21 = arith.constant 640 : i32
    %mul3A_22 = arith.muli %arg1, %mul3A_21 : i32
    "tpu.region"() ({
      %run_scoped3A = tpu.sem_alloc : memref<!tpu.dma_semaphore, #tpu.memory_space<semaphore_mem>>
      %dma_start3A = tpu.memref_slice %arg11[%mul3A_22] : memref<10240xf32, #tpu.memory_space<vmem_shared>> -> memref<640xf32, #tpu.memory_space<vmem_shared>>
      %dma_start3A_91 = tpu.memref_slice %arg11[%mul3A_22] : memref<10240xf32, #tpu.memory_space<vmem_shared>> -> memref<640xf32, #tpu.memory_space<vmem_shared>>
      tpu.enqueue_dma source(%arg16 : memref<640xf32, #tpu.memory_space<vmem>>) target(%dma_start3A_91 : memref<640xf32, #tpu.memory_space<vmem_shared>>) target_semaphore(%run_scoped3A : memref<!tpu.dma_semaphore, #tpu.memory_space<semaphore_mem>>)
      %dma_wait3A = tpu.memref_slice %arg11[%mul3A_22] : memref<10240xf32, #tpu.memory_space<vmem_shared>> -> memref<640xf32, #tpu.memory_space<vmem_shared>>
      %dma_wait3A_92 = tpu.memref_slice %arg11[%mul3A_22] : memref<10240xf32, #tpu.memory_space<vmem_shared>> -> memref<640xf32, #tpu.memory_space<vmem_shared>>
      tpu.wait_dma2 semaphore(%run_scoped3A : memref<!tpu.dma_semaphore, #tpu.memory_space<semaphore_mem>>) src(%arg16 : memref<640xf32, #tpu.memory_space<vmem>>) dst(%dma_wait3A_92 : memref<640xf32, #tpu.memory_space<vmem_shared>>)
      tpu.yield
    }) : () -> ()
    "tpu.region"() ({
      %run_scoped3A = tpu.sem_alloc : memref<!tpu.dma_semaphore, #tpu.memory_space<semaphore_mem>>
      tpu.enqueue_dma source(%arg7 : memref<128xf32, #tpu.memory_space<hbm>>) target(%arg15 : memref<128xf32, #tpu.memory_space<vmem>>) target_semaphore(%run_scoped3A : memref<!tpu.dma_semaphore, #tpu.memory_space<semaphore_mem>>)
      tpu.wait_dma2 semaphore(%run_scoped3A : memref<!tpu.dma_semaphore, #tpu.memory_space<semaphore_mem>>) src(%arg7 : memref<128xf32, #tpu.memory_space<hbm>>) dst(%arg15 : memref<128xf32, #tpu.memory_space<vmem>>)
      tpu.yield
    }) : () -> ()
    %barrier3A = arith.constant 0 : index
    tpu.barrier barrier_id(%barrier3A)
    %scan3A = arith.constant 0 : i32
    %scan3A_23 = arith.constant 0 : i32
    %scan3A_24 = arith.constant 79 : i32
    %scan3A_25 = arith.addi %scan3A_23, %scan3A_24 : i32
    %scan3A_26 = arith.constant 1 : i32
    scf.for %scan3A_91 = %scan3A_23 to %scan3A_25 step %scan3A_26  : i32 {
      %mul3A_92 = arith.constant 10112 : i32
      %mul3A_93 = arith.muli %add3A, %mul3A_92 : i32
      %mul3A_94 = arith.constant 128 : i32
      %mul3A_95 = arith.muli %scan3A_91, %mul3A_94 : i32
      %add3A_96 = arith.addi %mul3A_93, %mul3A_95 : i32
      "tpu.region"() ({
        %run_scoped3A = tpu.sem_alloc : memref<!tpu.dma_semaphore, #tpu.memory_space<semaphore_mem>>
        %dma_start3A_101 = tpu.memref_slice %arg3[%add3A_96] : memref<323584xi32, #tpu.memory_space<hbm>> -> memref<128xi32, #tpu.memory_space<hbm>>
        %dma_start3A_102 = tpu.memref_slice %arg3[%add3A_96] : memref<323584xi32, #tpu.memory_space<hbm>> -> memref<128xi32, #tpu.memory_space<hbm>>
        tpu.enqueue_dma source(%dma_start3A_102 : memref<128xi32, #tpu.memory_space<hbm>>) target(%arg12 : memref<128xi32, #tpu.memory_space<vmem>>) target_semaphore(%run_scoped3A : memref<!tpu.dma_semaphore, #tpu.memory_space<semaphore_mem>>)
        %dma_wait3A_103 = tpu.memref_slice %arg3[%add3A_96] : memref<323584xi32, #tpu.memory_space<hbm>> -> memref<128xi32, #tpu.memory_space<hbm>>
        %dma_wait3A_104 = tpu.memref_slice %arg3[%add3A_96] : memref<323584xi32, #tpu.memory_space<hbm>> -> memref<128xi32, #tpu.memory_space<hbm>>
        tpu.wait_dma2 semaphore(%run_scoped3A : memref<!tpu.dma_semaphore, #tpu.memory_space<semaphore_mem>>) src(%dma_wait3A_104 : memref<128xi32, #tpu.memory_space<hbm>>) dst(%arg12 : memref<128xi32, #tpu.memory_space<vmem>>)
        tpu.yield
      }) : () -> ()
      "tpu.region"() ({
        %run_scoped3A = tpu.sem_alloc : memref<!tpu.dma_semaphore, #tpu.memory_space<semaphore_mem>>
        %dma_start3A_101 = tpu.memref_slice %arg4[%add3A_96] : memref<323584xi32, #tpu.memory_space<hbm>> -> memref<128xi32, #tpu.memory_space<hbm>>
        %dma_start3A_102 = tpu.memref_slice %arg4[%add3A_96] : memref<323584xi32, #tpu.memory_space<hbm>> -> memref<128xi32, #tpu.memory_space<hbm>>
        tpu.enqueue_dma source(%dma_start3A_102 : memref<128xi32, #tpu.memory_space<hbm>>) target(%arg13 : memref<128xi32, #tpu.memory_space<vmem>>) target_semaphore(%run_scoped3A : memref<!tpu.dma_semaphore, #tpu.memory_space<semaphore_mem>>)
        %dma_wait3A_103 = tpu.memref_slice %arg4[%add3A_96] : memref<323584xi32, #tpu.memory_space<hbm>> -> memref<128xi32, #tpu.memory_space<hbm>>
        %dma_wait3A_104 = tpu.memref_slice %arg4[%add3A_96] : memref<323584xi32, #tpu.memory_space<hbm>> -> memref<128xi32, #tpu.memory_space<hbm>>
        tpu.wait_dma2 semaphore(%run_scoped3A : memref<!tpu.dma_semaphore, #tpu.memory_space<semaphore_mem>>) src(%dma_wait3A_104 : memref<128xi32, #tpu.memory_space<hbm>>) dst(%arg13 : memref<128xi32, #tpu.memory_space<vmem>>)
        tpu.yield
      }) : () -> ()
      %dma_start3A = arith.constant 0 : i32
      %dma_start3A_97 = arith.constant 0 : i32
      %dma_start3A_98 = tpu.memref_slice %arg2[%dma_start3A, %dma_start3A_97] : memref<10000x128xf32, #tpu.memory_space<hbm>> -> memref<10000x128xf32, #tpu.memory_space<hbm>>
      tpu.enqueue_indirect_dma source(%dma_start3A_98 : memref<10000x128xf32, #tpu.memory_space<hbm>>) target(%arg14 : memref<128x128xf32, #tpu.memory_space<vmem>>) offsets(%arg12 : memref<128xi32, #tpu.memory_space<vmem>>) semaphore(%arg17 : memref<!tpu.dma_semaphore, #tpu.memory_space<semaphore_mem>>)
      %dma_wait3A = arith.constant 0 : i32
      %dma_wait3A_99 = arith.constant 0 : i32
      %dma_wait3A_100 = tpu.memref_slice %arg2[%dma_wait3A, %dma_wait3A_99] : memref<10000x128xf32, #tpu.memory_space<hbm>> -> memref<10000x128xf32, #tpu.memory_space<hbm>>
      tpu.wait_indirect_dma semaphore(%arg17 : memref<!tpu.dma_semaphore, #tpu.memory_space<semaphore_mem>>) src(%dma_wait3A_100 : memref<10000x128xf32, #tpu.memory_space<hbm>>) dst(%arg14 : memref<128x128xf32, #tpu.memory_space<vmem>>)
      "tpu.region"() ({
        %run_scoped3A = tpu.sem_alloc : memref<!tpu.dma_semaphore, #tpu.memory_space<semaphore_mem>>
        %dma_start3A_101 = arith.constant 0 : i32
        %dma_start3A_102 = arith.constant 0 : i32
        %dma_start3A_103 = tpu.memref_slice %arg10[%dma_start3A_101, %dma_start3A_102] : memref<10240x128xf32, #tpu.memory_space<vmem_shared>> -> memref<10240x128xf32, #tpu.memory_space<vmem_shared>>
        tpu.enqueue_indirect_dma source(%arg14 : memref<128x128xf32, #tpu.memory_space<vmem>>) target(%dma_start3A_103 : memref<10240x128xf32, #tpu.memory_space<vmem_shared>>) offsets(%arg13 : memref<128xi32, #tpu.memory_space<vmem>>) semaphore(%run_scoped3A : memref<!tpu.dma_semaphore, #tpu.memory_space<semaphore_mem>>) {add = true}
        %dma_wait3A_104 = arith.constant 0 : i32
        %dma_wait3A_105 = arith.constant 0 : i32
        %dma_wait3A_106 = tpu.memref_slice %arg10[%dma_wait3A_104, %dma_wait3A_105] : memref<10240x128xf32, #tpu.memory_space<vmem_shared>> -> memref<10240x128xf32, #tpu.memory_space<vmem_shared>>
        tpu.wait_indirect_dma semaphore(%run_scoped3A : memref<!tpu.dma_semaphore, #tpu.memory_space<semaphore_mem>>) src(%arg14 : memref<128x128xf32, #tpu.memory_space<vmem>>) dst(%dma_wait3A_106 : memref<10240x128xf32, #tpu.memory_space<vmem_shared>>)
        tpu.yield
      }) : () -> ()
      "tpu.region"() ({
        %run_scoped3A = tpu.sem_alloc : memref<!tpu.dma_semaphore, #tpu.memory_space<semaphore_mem>>
        %dma_start3A_101 = arith.constant 0 : i32
        %dma_start3A_102 = tpu.memref_slice %arg11[%dma_start3A_101] : memref<10240xf32, #tpu.memory_space<vmem_shared>> -> memref<10240xf32, #tpu.memory_space<vmem_shared>>
        tpu.enqueue_indirect_dma source(%arg15 : memref<128xf32, #tpu.memory_space<vmem>>) target(%dma_start3A_102 : memref<10240xf32, #tpu.memory_space<vmem_shared>>) offsets(%arg13 : memref<128xi32, #tpu.memory_space<vmem>>) semaphore(%run_scoped3A : memref<!tpu.dma_semaphore, #tpu.memory_space<semaphore_mem>>) {add = true}
        %dma_wait3A_103 = arith.constant 0 : i32
        %dma_wait3A_104 = tpu.memref_slice %arg11[%dma_wait3A_103] : memref<10240xf32, #tpu.memory_space<vmem_shared>> -> memref<10240xf32, #tpu.memory_space<vmem_shared>>
        tpu.wait_indirect_dma semaphore(%run_scoped3A : memref<!tpu.dma_semaphore, #tpu.memory_space<semaphore_mem>>) src(%arg15 : memref<128xf32, #tpu.memory_space<vmem>>) dst(%dma_wait3A_104 : memref<10240xf32, #tpu.memory_space<vmem_shared>>)
        tpu.yield
      }) : () -> ()
    }
    %scan3A_27 = arith.constant 79 : i32
    %barrier3A_28 = arith.constant 0 : index
    tpu.barrier barrier_id(%barrier3A_28)
    %mul3A_29 = arith.constant 640 : i32
    %mul3A_30 = arith.muli %arg1, %mul3A_29 : i32
    %add3A_31 = arith.constant 0 : i32
    %add3A_32 = arith.addi %mul3A_30, %add3A_31 : i32
    "tpu.region"() ({
      %run_scoped3A = tpu.sem_alloc : memref<!tpu.dma_semaphore, #tpu.memory_space<semaphore_mem>>
      %dma_start3A = arith.constant 0 : i32
      %dma_start3A_91 = tpu.memref_slice %arg10[%add3A_32, %dma_start3A] : memref<10240x128xf32, #tpu.memory_space<vmem_shared>> -> memref<128x128xf32, #tpu.memory_space<vmem_shared>>
      %dma_start3A_92 = arith.constant 0 : i32
      %dma_start3A_93 = tpu.memref_slice %arg10[%add3A_32, %dma_start3A_92] : memref<10240x128xf32, #tpu.memory_space<vmem_shared>> -> memref<128x128xf32, #tpu.memory_space<vmem_shared>>
      tpu.enqueue_dma source(%dma_start3A_93 : memref<128x128xf32, #tpu.memory_space<vmem_shared>>) target(%arg14 : memref<128x128xf32, #tpu.memory_space<vmem>>) target_semaphore(%run_scoped3A : memref<!tpu.dma_semaphore, #tpu.memory_space<semaphore_mem>>)
      %dma_wait3A = arith.constant 0 : i32
      %dma_wait3A_94 = tpu.memref_slice %arg10[%add3A_32, %dma_wait3A] : memref<10240x128xf32, #tpu.memory_space<vmem_shared>> -> memref<128x128xf32, #tpu.memory_space<vmem_shared>>
      %dma_wait3A_95 = arith.constant 0 : i32
      %dma_wait3A_96 = tpu.memref_slice %arg10[%add3A_32, %dma_wait3A_95] : memref<10240x128xf32, #tpu.memory_space<vmem_shared>> -> memref<128x128xf32, #tpu.memory_space<vmem_shared>>
      tpu.wait_dma2 semaphore(%run_scoped3A : memref<!tpu.dma_semaphore, #tpu.memory_space<semaphore_mem>>) src(%dma_wait3A_96 : memref<128x128xf32, #tpu.memory_space<vmem_shared>>) dst(%arg14 : memref<128x128xf32, #tpu.memory_space<vmem>>)
      tpu.yield
    }) : () -> ()
    %mul3A_33 = arith.constant 10240 : i32
    %mul3A_34 = arith.muli %arg0, %mul3A_33 : i32
    %mul3A_35 = arith.constant 640 : i32
    %mul3A_36 = arith.muli %arg1, %mul3A_35 : i32
    %add3A_37 = arith.addi %mul3A_34, %mul3A_36 : i32
    %add3A_38 = arith.constant 0 : i32
    %add3A_39 = arith.addi %add3A_37, %add3A_38 : i32
    "tpu.region"() ({
      %run_scoped3A = tpu.sem_alloc : memref<!tpu.dma_semaphore, #tpu.memory_space<semaphore_mem>>
      %dma_start3A = arith.constant 0 : i32
      %dma_start3A_91 = tpu.memref_slice %arg8[%add3A_39, %dma_start3A] : memref<20480x128xf32, #tpu.memory_space<hbm>> -> memref<128x128xf32, #tpu.memory_space<hbm>>
      %dma_start3A_92 = arith.constant 0 : i32
      %dma_start3A_93 = tpu.memref_slice %arg8[%add3A_39, %dma_start3A_92] : memref<20480x128xf32, #tpu.memory_space<hbm>> -> memref<128x128xf32, #tpu.memory_space<hbm>>
      tpu.enqueue_dma source(%arg14 : memref<128x128xf32, #tpu.memory_space<vmem>>) target(%dma_start3A_93 : memref<128x128xf32, #tpu.memory_space<hbm>>) target_semaphore(%run_scoped3A : memref<!tpu.dma_semaphore, #tpu.memory_space<semaphore_mem>>)
      %dma_wait3A = arith.constant 0 : i32
      %dma_wait3A_94 = tpu.memref_slice %arg8[%add3A_39, %dma_wait3A] : memref<20480x128xf32, #tpu.memory_space<hbm>> -> memref<128x128xf32, #tpu.memory_space<hbm>>
      %dma_wait3A_95 = arith.constant 0 : i32
      %dma_wait3A_96 = tpu.memref_slice %arg8[%add3A_39, %dma_wait3A_95] : memref<20480x128xf32, #tpu.memory_space<hbm>> -> memref<128x128xf32, #tpu.memory_space<hbm>>
      tpu.wait_dma2 semaphore(%run_scoped3A : memref<!tpu.dma_semaphore, #tpu.memory_space<semaphore_mem>>) src(%arg14 : memref<128x128xf32, #tpu.memory_space<vmem>>) dst(%dma_wait3A_96 : memref<128x128xf32, #tpu.memory_space<hbm>>)
      tpu.yield
    }) : () -> ()
    %mul3A_40 = arith.constant 640 : i32
    %mul3A_41 = arith.muli %arg1, %mul3A_40 : i32
    %add3A_42 = arith.constant 128 : i32
    %add3A_43 = arith.addi %mul3A_41, %add3A_42 : i32
    "tpu.region"() ({
      %run_scoped3A = tpu.sem_alloc : memref<!tpu.dma_semaphore, #tpu.memory_space<semaphore_mem>>
      %dma_start3A = arith.constant 0 : i32
      %dma_start3A_91 = tpu.memref_slice %arg10[%add3A_43, %dma_start3A] : memref<10240x128xf32, #tpu.memory_space<vmem_shared>> -> memref<128x128xf32, #tpu.memory_space<vmem_shared>>
      %dma_start3A_92 = arith.constant 0 : i32
      %dma_start3A_93 = tpu.memref_slice %arg10[%add3A_43, %dma_start3A_92] : memref<10240x128xf32, #tpu.memory_space<vmem_shared>> -> memref<128x128xf32, #tpu.memory_space<vmem_shared>>
      tpu.enqueue_dma source(%dma_start3A_93 : memref<128x128xf32, #tpu.memory_space<vmem_shared>>) target(%arg14 : memref<128x128xf32, #tpu.memory_space<vmem>>) target_semaphore(%run_scoped3A : memref<!tpu.dma_semaphore, #tpu.memory_space<semaphore_mem>>)
      %dma_wait3A = arith.constant 0 : i32
      %dma_wait3A_94 = tpu.memref_slice %arg10[%add3A_43, %dma_wait3A] : memref<10240x128xf32, #tpu.memory_space<vmem_shared>> -> memref<128x128xf32, #tpu.memory_space<vmem_shared>>
      %dma_wait3A_95 = arith.constant 0 : i32
      %dma_wait3A_96 = tpu.memref_slice %arg10[%add3A_43, %dma_wait3A_95] : memref<10240x128xf32, #tpu.memory_space<vmem_shared>> -> memref<128x128xf32, #tpu.memory_space<vmem_shared>>
      tpu.wait_dma2 semaphore(%run_scoped3A : memref<!tpu.dma_semaphore, #tpu.memory_space<semaphore_mem>>) src(%dma_wait3A_96 : memref<128x128xf32, #tpu.memory_space<vmem_shared>>) dst(%arg14 : memref<128x128xf32, #tpu.memory_space<vmem>>)
      tpu.yield
    }) : () -> ()
    %mul3A_44 = arith.constant 10240 : i32
    %mul3A_45 = arith.muli %arg0, %mul3A_44 : i32
    %mul3A_46 = arith.constant 640 : i32
    %mul3A_47 = arith.muli %arg1, %mul3A_46 : i32
    %add3A_48 = arith.addi %mul3A_45, %mul3A_47 : i32
    %add3A_49 = arith.constant 128 : i32
    %add3A_50 = arith.addi %add3A_48, %add3A_49 : i32
    "tpu.region"() ({
      %run_scoped3A = tpu.sem_alloc : memref<!tpu.dma_semaphore, #tpu.memory_space<semaphore_mem>>
      %dma_start3A = arith.constant 0 : i32
      %dma_start3A_91 = tpu.memref_slice %arg8[%add3A_50, %dma_start3A] : memref<20480x128xf32, #tpu.memory_space<hbm>> -> memref<128x128xf32, #tpu.memory_space<hbm>>
      %dma_start3A_92 = arith.constant 0 : i32
      %dma_start3A_93 = tpu.memref_slice %arg8[%add3A_50, %dma_start3A_92] : memref<20480x128xf32, #tpu.memory_space<hbm>> -> memref<128x128xf32, #tpu.memory_space<hbm>>
      tpu.enqueue_dma source(%arg14 : memref<128x128xf32, #tpu.memory_space<vmem>>) target(%dma_start3A_93 : memref<128x128xf32, #tpu.memory_space<hbm>>) target_semaphore(%run_scoped3A : memref<!tpu.dma_semaphore, #tpu.memory_space<semaphore_mem>>)
      %dma_wait3A = arith.constant 0 : i32
      %dma_wait3A_94 = tpu.memref_slice %arg8[%add3A_50, %dma_wait3A] : memref<20480x128xf32, #tpu.memory_space<hbm>> -> memref<128x128xf32, #tpu.memory_space<hbm>>
      %dma_wait3A_95 = arith.constant 0 : i32
      %dma_wait3A_96 = tpu.memref_slice %arg8[%add3A_50, %dma_wait3A_95] : memref<20480x128xf32, #tpu.memory_space<hbm>> -> memref<128x128xf32, #tpu.memory_space<hbm>>
      tpu.wait_dma2 semaphore(%run_scoped3A : memref<!tpu.dma_semaphore, #tpu.memory_space<semaphore_mem>>) src(%arg14 : memref<128x128xf32, #tpu.memory_space<vmem>>) dst(%dma_wait3A_96 : memref<128x128xf32, #tpu.memory_space<hbm>>)
      tpu.yield
    }) : () -> ()
    %mul3A_51 = arith.constant 640 : i32
    %mul3A_52 = arith.muli %arg1, %mul3A_51 : i32
    %add3A_53 = arith.constant 256 : i32
    %add3A_54 = arith.addi %mul3A_52, %add3A_53 : i32
    "tpu.region"() ({
      %run_scoped3A = tpu.sem_alloc : memref<!tpu.dma_semaphore, #tpu.memory_space<semaphore_mem>>
      %dma_start3A = arith.constant 0 : i32
      %dma_start3A_91 = tpu.memref_slice %arg10[%add3A_54, %dma_start3A] : memref<10240x128xf32, #tpu.memory_space<vmem_shared>> -> memref<128x128xf32, #tpu.memory_space<vmem_shared>>
      %dma_start3A_92 = arith.constant 0 : i32
      %dma_start3A_93 = tpu.memref_slice %arg10[%add3A_54, %dma_start3A_92] : memref<10240x128xf32, #tpu.memory_space<vmem_shared>> -> memref<128x128xf32, #tpu.memory_space<vmem_shared>>
      tpu.enqueue_dma source(%dma_start3A_93 : memref<128x128xf32, #tpu.memory_space<vmem_shared>>) target(%arg14 : memref<128x128xf32, #tpu.memory_space<vmem>>) target_semaphore(%run_scoped3A : memref<!tpu.dma_semaphore, #tpu.memory_space<semaphore_mem>>)
      %dma_wait3A = arith.constant 0 : i32
      %dma_wait3A_94 = tpu.memref_slice %arg10[%add3A_54, %dma_wait3A] : memref<10240x128xf32, #tpu.memory_space<vmem_shared>> -> memref<128x128xf32, #tpu.memory_space<vmem_shared>>
      %dma_wait3A_95 = arith.constant 0 : i32
      %dma_wait3A_96 = tpu.memref_slice %arg10[%add3A_54, %dma_wait3A_95] : memref<10240x128xf32, #tpu.memory_space<vmem_shared>> -> memref<128x128xf32, #tpu.memory_space<vmem_shared>>
      tpu.wait_dma2 semaphore(%run_scoped3A : memref<!tpu.dma_semaphore, #tpu.memory_space<semaphore_mem>>) src(%dma_wait3A_96 : memref<128x128xf32, #tpu.memory_space<vmem_shared>>) dst(%arg14 : memref<128x128xf32, #tpu.memory_space<vmem>>)
      tpu.yield
    }) : () -> ()
    %mul3A_55 = arith.constant 10240 : i32
    %mul3A_56 = arith.muli %arg0, %mul3A_55 : i32
    %mul3A_57 = arith.constant 640 : i32
    %mul3A_58 = arith.muli %arg1, %mul3A_57 : i32
    %add3A_59 = arith.addi %mul3A_56, %mul3A_58 : i32
    %add3A_60 = arith.constant 256 : i32
    %add3A_61 = arith.addi %add3A_59, %add3A_60 : i32
    "tpu.region"() ({
      %run_scoped3A = tpu.sem_alloc : memref<!tpu.dma_semaphore, #tpu.memory_space<semaphore_mem>>
      %dma_start3A = arith.constant 0 : i32
      %dma_start3A_91 = tpu.memref_slice %arg8[%add3A_61, %dma_start3A] : memref<20480x128xf32, #tpu.memory_space<hbm>> -> memref<128x128xf32, #tpu.memory_space<hbm>>
      %dma_start3A_92 = arith.constant 0 : i32
      %dma_start3A_93 = tpu.memref_slice %arg8[%add3A_61, %dma_start3A_92] : memref<20480x128xf32, #tpu.memory_space<hbm>> -> memref<128x128xf32, #tpu.memory_space<hbm>>
      tpu.enqueue_dma source(%arg14 : memref<128x128xf32, #tpu.memory_space<vmem>>) target(%dma_start3A_93 : memref<128x128xf32, #tpu.memory_space<hbm>>) target_semaphore(%run_scoped3A : memref<!tpu.dma_semaphore, #tpu.memory_space<semaphore_mem>>)
      %dma_wait3A = arith.constant 0 : i32
      %dma_wait3A_94 = tpu.memref_slice %arg8[%add3A_61, %dma_wait3A] : memref<20480x128xf32, #tpu.memory_space<hbm>> -> memref<128x128xf32, #tpu.memory_space<hbm>>
      %dma_wait3A_95 = arith.constant 0 : i32
      %dma_wait3A_96 = tpu.memref_slice %arg8[%add3A_61, %dma_wait3A_95] : memref<20480x128xf32, #tpu.memory_space<hbm>> -> memref<128x128xf32, #tpu.memory_space<hbm>>
      tpu.wait_dma2 semaphore(%run_scoped3A : memref<!tpu.dma_semaphore, #tpu.memory_space<semaphore_mem>>) src(%arg14 : memref<128x128xf32, #tpu.memory_space<vmem>>) dst(%dma_wait3A_96 : memref<128x128xf32, #tpu.memory_space<hbm>>)
      tpu.yield
    }) : () -> ()
    %mul3A_62 = arith.constant 640 : i32
    %mul3A_63 = arith.muli %arg1, %mul3A_62 : i32
    %add3A_64 = arith.constant 384 : i32
    %add3A_65 = arith.addi %mul3A_63, %add3A_64 : i32
    "tpu.region"() ({
      %run_scoped3A = tpu.sem_alloc : memref<!tpu.dma_semaphore, #tpu.memory_space<semaphore_mem>>
      %dma_start3A = arith.constant 0 : i32
      %dma_start3A_91 = tpu.memref_slice %arg10[%add3A_65, %dma_start3A] : memref<10240x128xf32, #tpu.memory_space<vmem_shared>> -> memref<128x128xf32, #tpu.memory_space<vmem_shared>>
      %dma_start3A_92 = arith.constant 0 : i32
      %dma_start3A_93 = tpu.memref_slice %arg10[%add3A_65, %dma_start3A_92] : memref<10240x128xf32, #tpu.memory_space<vmem_shared>> -> memref<128x128xf32, #tpu.memory_space<vmem_shared>>
      tpu.enqueue_dma source(%dma_start3A_93 : memref<128x128xf32, #tpu.memory_space<vmem_shared>>) target(%arg14 : memref<128x128xf32, #tpu.memory_space<vmem>>) target_semaphore(%run_scoped3A : memref<!tpu.dma_semaphore, #tpu.memory_space<semaphore_mem>>)
      %dma_wait3A = arith.constant 0 : i32
      %dma_wait3A_94 = tpu.memref_slice %arg10[%add3A_65, %dma_wait3A] : memref<10240x128xf32, #tpu.memory_space<vmem_shared>> -> memref<128x128xf32, #tpu.memory_space<vmem_shared>>
      %dma_wait3A_95 = arith.constant 0 : i32
      %dma_wait3A_96 = tpu.memref_slice %arg10[%add3A_65, %dma_wait3A_95] : memref<10240x128xf32, #tpu.memory_space<vmem_shared>> -> memref<128x128xf32, #tpu.memory_space<vmem_shared>>
      tpu.wait_dma2 semaphore(%run_scoped3A : memref<!tpu.dma_semaphore, #tpu.memory_space<semaphore_mem>>) src(%dma_wait3A_96 : memref<128x128xf32, #tpu.memory_space<vmem_shared>>) dst(%arg14 : memref<128x128xf32, #tpu.memory_space<vmem>>)
      tpu.yield
    }) : () -> ()
    %mul3A_66 = arith.constant 10240 : i32
    %mul3A_67 = arith.muli %arg0, %mul3A_66 : i32
    %mul3A_68 = arith.constant 640 : i32
    %mul3A_69 = arith.muli %arg1, %mul3A_68 : i32
    %add3A_70 = arith.addi %mul3A_67, %mul3A_69 : i32
    %add3A_71 = arith.constant 384 : i32
    %add3A_72 = arith.addi %add3A_70, %add3A_71 : i32
    "tpu.region"() ({
      %run_scoped3A = tpu.sem_alloc : memref<!tpu.dma_semaphore, #tpu.memory_space<semaphore_mem>>
      %dma_start3A = arith.constant 0 : i32
      %dma_start3A_91 = tpu.memref_slice %arg8[%add3A_72, %dma_start3A] : memref<20480x128xf32, #tpu.memory_space<hbm>> -> memref<128x128xf32, #tpu.memory_space<hbm>>
      %dma_start3A_92 = arith.constant 0 : i32
      %dma_start3A_93 = tpu.memref_slice %arg8[%add3A_72, %dma_start3A_92] : memref<20480x128xf32, #tpu.memory_space<hbm>> -> memref<128x128xf32, #tpu.memory_space<hbm>>
      tpu.enqueue_dma source(%arg14 : memref<128x128xf32, #tpu.memory_space<vmem>>) target(%dma_start3A_93 : memref<128x128xf32, #tpu.memory_space<hbm>>) target_semaphore(%run_scoped3A : memref<!tpu.dma_semaphore, #tpu.memory_space<semaphore_mem>>)
      %dma_wait3A = arith.constant 0 : i32
      %dma_wait3A_94 = tpu.memref_slice %arg8[%add3A_72, %dma_wait3A] : memref<20480x128xf32, #tpu.memory_space<hbm>> -> memref<128x128xf32, #tpu.memory_space<hbm>>
      %dma_wait3A_95 = arith.constant 0 : i32
      %dma_wait3A_96 = tpu.memref_slice %arg8[%add3A_72, %dma_wait3A_95] : memref<20480x128xf32, #tpu.memory_space<hbm>> -> memref<128x128xf32, #tpu.memory_space<hbm>>
      tpu.wait_dma2 semaphore(%run_scoped3A : memref<!tpu.dma_semaphore, #tpu.memory_space<semaphore_mem>>) src(%arg14 : memref<128x128xf32, #tpu.memory_space<vmem>>) dst(%dma_wait3A_96 : memref<128x128xf32, #tpu.memory_space<hbm>>)
      tpu.yield
    }) : () -> ()
    %mul3A_73 = arith.constant 640 : i32
    %mul3A_74 = arith.muli %arg1, %mul3A_73 : i32
    %add3A_75 = arith.constant 512 : i32
    %add3A_76 = arith.addi %mul3A_74, %add3A_75 : i32
    "tpu.region"() ({
      %run_scoped3A = tpu.sem_alloc : memref<!tpu.dma_semaphore, #tpu.memory_space<semaphore_mem>>
      %dma_start3A = arith.constant 0 : i32
      %dma_start3A_91 = tpu.memref_slice %arg10[%add3A_76, %dma_start3A] : memref<10240x128xf32, #tpu.memory_space<vmem_shared>> -> memref<128x128xf32, #tpu.memory_space<vmem_shared>>
      %dma_start3A_92 = arith.constant 0 : i32
      %dma_start3A_93 = tpu.memref_slice %arg10[%add3A_76, %dma_start3A_92] : memref<10240x128xf32, #tpu.memory_space<vmem_shared>> -> memref<128x128xf32, #tpu.memory_space<vmem_shared>>
      tpu.enqueue_dma source(%dma_start3A_93 : memref<128x128xf32, #tpu.memory_space<vmem_shared>>) target(%arg14 : memref<128x128xf32, #tpu.memory_space<vmem>>) target_semaphore(%run_scoped3A : memref<!tpu.dma_semaphore, #tpu.memory_space<semaphore_mem>>)
      %dma_wait3A = arith.constant 0 : i32
      %dma_wait3A_94 = tpu.memref_slice %arg10[%add3A_76, %dma_wait3A] : memref<10240x128xf32, #tpu.memory_space<vmem_shared>> -> memref<128x128xf32, #tpu.memory_space<vmem_shared>>
      %dma_wait3A_95 = arith.constant 0 : i32
      %dma_wait3A_96 = tpu.memref_slice %arg10[%add3A_76, %dma_wait3A_95] : memref<10240x128xf32, #tpu.memory_space<vmem_shared>> -> memref<128x128xf32, #tpu.memory_space<vmem_shared>>
      tpu.wait_dma2 semaphore(%run_scoped3A : memref<!tpu.dma_semaphore, #tpu.memory_space<semaphore_mem>>) src(%dma_wait3A_96 : memref<128x128xf32, #tpu.memory_space<vmem_shared>>) dst(%arg14 : memref<128x128xf32, #tpu.memory_space<vmem>>)
      tpu.yield
    }) : () -> ()
    %mul3A_77 = arith.constant 10240 : i32
    %mul3A_78 = arith.muli %arg0, %mul3A_77 : i32
    %mul3A_79 = arith.constant 640 : i32
    %mul3A_80 = arith.muli %arg1, %mul3A_79 : i32
    %add3A_81 = arith.addi %mul3A_78, %mul3A_80 : i32
    %add3A_82 = arith.constant 512 : i32
    %add3A_83 = arith.addi %add3A_81, %add3A_82 : i32
    "tpu.region"() ({
      %run_scoped3A = tpu.sem_alloc : memref<!tpu.dma_semaphore, #tpu.memory_space<semaphore_mem>>
      %dma_start3A = arith.constant 0 : i32
      %dma_start3A_91 = tpu.memref_slice %arg8[%add3A_83, %dma_start3A] : memref<20480x128xf32, #tpu.memory_space<hbm>> -> memref<128x128xf32, #tpu.memory_space<hbm>>
      %dma_start3A_92 = arith.constant 0 : i32
      %dma_start3A_93 = tpu.memref_slice %arg8[%add3A_83, %dma_start3A_92] : memref<20480x128xf32, #tpu.memory_space<hbm>> -> memref<128x128xf32, #tpu.memory_space<hbm>>
      tpu.enqueue_dma source(%arg14 : memref<128x128xf32, #tpu.memory_space<vmem>>) target(%dma_start3A_93 : memref<128x128xf32, #tpu.memory_space<hbm>>) target_semaphore(%run_scoped3A : memref<!tpu.dma_semaphore, #tpu.memory_space<semaphore_mem>>)
      %dma_wait3A = arith.constant 0 : i32
      %dma_wait3A_94 = tpu.memref_slice %arg8[%add3A_83, %dma_wait3A] : memref<20480x128xf32, #tpu.memory_space<hbm>> -> memref<128x128xf32, #tpu.memory_space<hbm>>
      %dma_wait3A_95 = arith.constant 0 : i32
      %dma_wait3A_96 = tpu.memref_slice %arg8[%add3A_83, %dma_wait3A_95] : memref<20480x128xf32, #tpu.memory_space<hbm>> -> memref<128x128xf32, #tpu.memory_space<hbm>>
      tpu.wait_dma2 semaphore(%run_scoped3A : memref<!tpu.dma_semaphore, #tpu.memory_space<semaphore_mem>>) src(%arg14 : memref<128x128xf32, #tpu.memory_space<vmem>>) dst(%dma_wait3A_96 : memref<128x128xf32, #tpu.memory_space<hbm>>)
      tpu.yield
    }) : () -> ()
    %mul3A_84 = arith.constant 640 : i32
    %mul3A_85 = arith.muli %arg1, %mul3A_84 : i32
    "tpu.region"() ({
      %run_scoped3A = tpu.sem_alloc : memref<!tpu.dma_semaphore, #tpu.memory_space<semaphore_mem>>
      %dma_start3A = tpu.memref_slice %arg11[%mul3A_85] : memref<10240xf32, #tpu.memory_space<vmem_shared>> -> memref<640xf32, #tpu.memory_space<vmem_shared>>
      %dma_start3A_91 = tpu.memref_slice %arg11[%mul3A_85] : memref<10240xf32, #tpu.memory_space<vmem_shared>> -> memref<640xf32, #tpu.memory_space<vmem_shared>>
      tpu.enqueue_dma source(%dma_start3A_91 : memref<640xf32, #tpu.memory_space<vmem_shared>>) target(%arg16 : memref<640xf32, #tpu.memory_space<vmem>>) target_semaphore(%run_scoped3A : memref<!tpu.dma_semaphore, #tpu.memory_space<semaphore_mem>>)
      %dma_wait3A = tpu.memref_slice %arg11[%mul3A_85] : memref<10240xf32, #tpu.memory_space<vmem_shared>> -> memref<640xf32, #tpu.memory_space<vmem_shared>>
      %dma_wait3A_92 = tpu.memref_slice %arg11[%mul3A_85] : memref<10240xf32, #tpu.memory_space<vmem_shared>> -> memref<640xf32, #tpu.memory_space<vmem_shared>>
      tpu.wait_dma2 semaphore(%run_scoped3A : memref<!tpu.dma_semaphore, #tpu.memory_space<semaphore_mem>>) src(%dma_wait3A_92 : memref<640xf32, #tpu.memory_space<vmem_shared>>) dst(%arg16 : memref<640xf32, #tpu.memory_space<vmem>>)
      tpu.yield
    }) : () -> ()
    %mul3A_86 = arith.constant 10240 : i32
    %mul3A_87 = arith.muli %arg0, %mul3A_86 : i32
    %mul3A_88 = arith.constant 640 : i32
    %mul3A_89 = arith.muli %arg1, %mul3A_88 : i32
    %add3A_90 = arith.addi %mul3A_87, %mul3A_89 : i32
    "tpu.region"() ({
      %run_scoped3A = tpu.sem_alloc : memref<!tpu.dma_semaphore, #tpu.memory_space<semaphore_mem>>
      %dma_start3A = tpu.memref_slice %arg9[%add3A_90] : memref<20480xf32, #tpu.memory_space<hbm>> -> memref<640xf32, #tpu.memory_space<hbm>>
      %dma_start3A_91 = tpu.memref_slice %arg9[%add3A_90] : memref<20480xf32, #tpu.memory_space<hbm>> -> memref<640xf32, #tpu.memory_space<hbm>>
      tpu.enqueue_dma source(%arg16 : memref<640xf32, #tpu.memory_space<vmem>>) target(%dma_start3A_91 : memref<640xf32, #tpu.memory_space<hbm>>) target_semaphore(%run_scoped3A : memref<!tpu.dma_semaphore, #tpu.memory_space<semaphore_mem>>)
      %dma_wait3A = tpu.memref_slice %arg9[%add3A_90] : memref<20480xf32, #tpu.memory_space<hbm>> -> memref<640xf32, #tpu.memory_space<hbm>>
      %dma_wait3A_92 = tpu.memref_slice %arg9[%add3A_90] : memref<20480xf32, #tpu.memory_space<hbm>> -> memref<640xf32, #tpu.memory_space<hbm>>
      tpu.wait_dma2 semaphore(%run_scoped3A : memref<!tpu.dma_semaphore, #tpu.memory_space<semaphore_mem>>) src(%arg16 : memref<640xf32, #tpu.memory_space<vmem>>) dst(%dma_wait3A_92 : memref<640xf32, #tpu.memory_space<hbm>>)
      tpu.yield
    }) : () -> ()
    return
  }
}

module attributes {stable_mosaic.version = 14 : i64} {
  func.func @_tc_layer_body(%arg0: memref<2x10000x128xf32, #tpu.memory_space<vmem>>, %arg1: memref<2x10000x1xf32, #tpu.memory_space<vmem>>, %arg2: memref<10000x128xf32, #tpu.memory_space<vmem>>, %arg3: memref<128x128xf32, #tpu.memory_space<vmem>>, %arg4: memref<1x128xf32, #tpu.memory_space<vmem>>, %arg5: memref<128x128xf32, #tpu.memory_space<vmem>>, %arg6: memref<10000x128xf32, #tpu.memory_space<vmem>>) attributes {dimension_semantics = [], scalar_prefetch = 0 : i64, scratch_operands = 0 : i64, tpu.core_type = #tpu.core_type<tc>} {
    %get3A = arith.constant 0 : index
    %get3A_0 = arith.constant 0 : index
    %get3A_1 = arith.constant 0 : index
    %get3A_2 = vector.load %arg1[%get3A, %get3A_0, %get3A_1] : memref<2x10000x1xf32, #tpu.memory_space<vmem>>, vector<1x10000x1xf32>
    %get3A_3 = vector.shape_cast %get3A_2 : vector<1x10000x1xf32> to vector<10000x1xf32>
    %get3A_4 = arith.constant 1 : index
    %get3A_5 = arith.constant 0 : index
    %get3A_6 = arith.constant 0 : index
    %get3A_7 = vector.load %arg1[%get3A_4, %get3A_5, %get3A_6] : memref<2x10000x1xf32, #tpu.memory_space<vmem>>, vector<1x10000x1xf32>
    %get3A_8 = vector.shape_cast %get3A_7 : vector<1x10000x1xf32> to vector<10000x1xf32>
    %add3A = arith.addf %get3A_3, %get3A_8 : vector<10000x1xf32>
    %get3A_9 = arith.constant 0 : index
    %get3A_10 = arith.constant 0 : index
    %get3A_11 = arith.constant 0 : index
    %get3A_12 = vector.load %arg0[%get3A_9, %get3A_10, %get3A_11] : memref<2x10000x128xf32, #tpu.memory_space<vmem>>, vector<1x10000x128xf32>
    %get3A_13 = vector.shape_cast %get3A_12 : vector<1x10000x128xf32> to vector<10000x128xf32>
    %get3A_14 = arith.constant 1 : index
    %get3A_15 = arith.constant 0 : index
    %get3A_16 = arith.constant 0 : index
    %get3A_17 = vector.load %arg0[%get3A_14, %get3A_15, %get3A_16] : memref<2x10000x128xf32, #tpu.memory_space<vmem>>, vector<1x10000x128xf32>
    %get3A_18 = vector.shape_cast %get3A_17 : vector<1x10000x128xf32> to vector<10000x128xf32>
    %add3A_19 = arith.addf %get3A_13, %get3A_18 : vector<10000x128xf32>
    %max3A = arith.constant 1.000000e+00 : f32
    %max3A_20 = vector.broadcast %max3A : f32 to vector<10000x1xf32>
    %max3A_21 = arith.maximumf %add3A, %max3A_20 : vector<10000x1xf32>
    %div3A = arith.constant 1.000000e+00 : f32
    %div3A_22 = vector.broadcast %div3A : f32 to vector<10000x1xf32>
    %div3A_23 = arith.divf %div3A_22, %max3A_21 : vector<10000x1xf32>
    %mul3A = vector.broadcast %div3A_23 : vector<10000x1xf32> to vector<10000x128xf32>
    %mul3A_24 = arith.mulf %add3A_19, %mul3A : vector<10000x128xf32>
    %get3A_25 = arith.constant 0 : index
    %get3A_26 = arith.constant 0 : index
    %get3A_27 = vector.load %arg3[%get3A_25, %get3A_26] : memref<128x128xf32, #tpu.memory_space<vmem>>, vector<128x128xf32>
    %dot_general3A = arith.constant dense<0.000000e+00> : vector<10000x128xf32>
    %dot_general3A_28 = tpu.matmul %mul3A_24, %get3A_27, %dot_general3A {dimension_numbers = #tpu.dot_dimension_numbers<[1], [1], [0], [0], [0, 0, 1, 0], [], []>, transpose_lhs_hint = false} : vector<10000x128xf32>, vector<128x128xf32>, vector<10000x128xf32> -> vector<10000x128xf32>
    %get3A_29 = arith.constant 0 : index
    %get3A_30 = arith.constant 0 : index
    %get3A_31 = vector.load %arg4[%get3A_29, %get3A_30] : memref<1x128xf32, #tpu.memory_space<vmem>>, vector<1x128xf32>
    %add3A_32 = vector.broadcast %get3A_31 : vector<1x128xf32> to vector<10000x128xf32>
    %add3A_33 = arith.addf %dot_general3A_28, %add3A_32 : vector<10000x128xf32>
    %get3A_34 = arith.constant 0 : index
    %get3A_35 = arith.constant 0 : index
    %get3A_36 = vector.load %arg2[%get3A_34, %get3A_35] : memref<10000x128xf32, #tpu.memory_space<vmem>>, vector<10000x128xf32>
    %get3A_37 = arith.constant 0 : index
    %get3A_38 = arith.constant 0 : index
    %get3A_39 = vector.load %arg5[%get3A_37, %get3A_38] : memref<128x128xf32, #tpu.memory_space<vmem>>, vector<128x128xf32>
    %dot_general3A_40 = arith.constant dense<0.000000e+00> : vector<10000x128xf32>
    %dot_general3A_41 = tpu.matmul %get3A_36, %get3A_39, %dot_general3A_40 {dimension_numbers = #tpu.dot_dimension_numbers<[1], [1], [0], [0], [0, 0, 1, 0], [], []>, transpose_lhs_hint = false} : vector<10000x128xf32>, vector<128x128xf32>, vector<10000x128xf32> -> vector<10000x128xf32>
    %add3A_42 = arith.addf %add3A_33, %dot_general3A_41 : vector<10000x128xf32>
    %max3A_43 = arith.constant 0.000000e+00 : f32
    %max3A_44 = vector.broadcast %max3A_43 : f32 to vector<10000x128xf32>
    %max3A_45 = arith.maximumf %add3A_42, %max3A_44 : vector<10000x128xf32>
    %swap3A = arith.constant 0 : index
    %swap3A_46 = arith.constant 0 : index
    %swap3A_47 = vector.load %arg6[%swap3A, %swap3A_46] : memref<10000x128xf32, #tpu.memory_space<vmem>>, vector<10000x128xf32>
    tpu.vector_store %arg6[%swap3A, %swap3A_46], %max3A_45 {strides = array<i32>} : memref<10000x128xf32, #tpu.memory_space<vmem>>, vector<10000x128xf32>,
    return
  }
}

module attributes {stable_mosaic.version = 14 : i64} {
  func.func @_tc_layer_body(%arg0: memref<2x10000x128xf32, #tpu.memory_space<vmem>>, %arg1: memref<2x10000x1xf32, #tpu.memory_space<vmem>>, %arg2: memref<10000x128xf32, #tpu.memory_space<vmem>>, %arg3: memref<128x128xf32, #tpu.memory_space<vmem>>, %arg4: memref<1x128xf32, #tpu.memory_space<vmem>>, %arg5: memref<128x128xf32, #tpu.memory_space<vmem>>, %arg6: memref<10000x128xf32, #tpu.memory_space<vmem>>) attributes {dimension_semantics = [], scalar_prefetch = 0 : i64, scratch_operands = 0 : i64, tpu.core_type = #tpu.core_type<tc>} {
    %get3A = arith.constant 0 : index
    %get3A_0 = arith.constant 0 : index
    %get3A_1 = arith.constant 0 : index
    %get3A_2 = vector.load %arg1[%get3A, %get3A_0, %get3A_1] : memref<2x10000x1xf32, #tpu.memory_space<vmem>>, vector<1x10000x1xf32>
    %get3A_3 = vector.shape_cast %get3A_2 : vector<1x10000x1xf32> to vector<10000x1xf32>
    %get3A_4 = arith.constant 1 : index
    %get3A_5 = arith.constant 0 : index
    %get3A_6 = arith.constant 0 : index
    %get3A_7 = vector.load %arg1[%get3A_4, %get3A_5, %get3A_6] : memref<2x10000x1xf32, #tpu.memory_space<vmem>>, vector<1x10000x1xf32>
    %get3A_8 = vector.shape_cast %get3A_7 : vector<1x10000x1xf32> to vector<10000x1xf32>
    %add3A = arith.addf %get3A_3, %get3A_8 : vector<10000x1xf32>
    %get3A_9 = arith.constant 0 : index
    %get3A_10 = arith.constant 0 : index
    %get3A_11 = arith.constant 0 : index
    %get3A_12 = vector.load %arg0[%get3A_9, %get3A_10, %get3A_11] : memref<2x10000x128xf32, #tpu.memory_space<vmem>>, vector<1x10000x128xf32>
    %get3A_13 = vector.shape_cast %get3A_12 : vector<1x10000x128xf32> to vector<10000x128xf32>
    %get3A_14 = arith.constant 1 : index
    %get3A_15 = arith.constant 0 : index
    %get3A_16 = arith.constant 0 : index
    %get3A_17 = vector.load %arg0[%get3A_14, %get3A_15, %get3A_16] : memref<2x10000x128xf32, #tpu.memory_space<vmem>>, vector<1x10000x128xf32>
    %get3A_18 = vector.shape_cast %get3A_17 : vector<1x10000x128xf32> to vector<10000x128xf32>
    %add3A_19 = arith.addf %get3A_13, %get3A_18 : vector<10000x128xf32>
    %max3A = arith.constant 1.000000e+00 : f32
    %max3A_20 = vector.broadcast %max3A : f32 to vector<10000x1xf32>
    %max3A_21 = arith.maximumf %add3A, %max3A_20 : vector<10000x1xf32>
    %div3A = arith.constant 1.000000e+00 : f32
    %div3A_22 = vector.broadcast %div3A : f32 to vector<10000x1xf32>
    %div3A_23 = arith.divf %div3A_22, %max3A_21 : vector<10000x1xf32>
    %mul3A = vector.broadcast %div3A_23 : vector<10000x1xf32> to vector<10000x128xf32>
    %mul3A_24 = arith.mulf %add3A_19, %mul3A : vector<10000x128xf32>
    %get3A_25 = arith.constant 0 : index
    %get3A_26 = arith.constant 0 : index
    %get3A_27 = vector.load %arg3[%get3A_25, %get3A_26] : memref<128x128xf32, #tpu.memory_space<vmem>>, vector<128x128xf32>
    %dot_general3A = arith.constant dense<0.000000e+00> : vector<10000x128xf32>
    %dot_general3A_28 = tpu.matmul %mul3A_24, %get3A_27, %dot_general3A {dimension_numbers = #tpu.dot_dimension_numbers<[1], [1], [0], [0], [0, 0, 1, 0], [], []>, transpose_lhs_hint = false} : vector<10000x128xf32>, vector<128x128xf32>, vector<10000x128xf32> -> vector<10000x128xf32>
    %get3A_29 = arith.constant 0 : index
    %get3A_30 = arith.constant 0 : index
    %get3A_31 = vector.load %arg4[%get3A_29, %get3A_30] : memref<1x128xf32, #tpu.memory_space<vmem>>, vector<1x128xf32>
    %add3A_32 = vector.broadcast %get3A_31 : vector<1x128xf32> to vector<10000x128xf32>
    %add3A_33 = arith.addf %dot_general3A_28, %add3A_32 : vector<10000x128xf32>
    %get3A_34 = arith.constant 0 : index
    %get3A_35 = arith.constant 0 : index
    %get3A_36 = vector.load %arg2[%get3A_34, %get3A_35] : memref<10000x128xf32, #tpu.memory_space<vmem>>, vector<10000x128xf32>
    %get3A_37 = arith.constant 0 : index
    %get3A_38 = arith.constant 0 : index
    %get3A_39 = vector.load %arg5[%get3A_37, %get3A_38] : memref<128x128xf32, #tpu.memory_space<vmem>>, vector<128x128xf32>
    %dot_general3A_40 = arith.constant dense<0.000000e+00> : vector<10000x128xf32>
    %dot_general3A_41 = tpu.matmul %get3A_36, %get3A_39, %dot_general3A_40 {dimension_numbers = #tpu.dot_dimension_numbers<[1], [1], [0], [0], [0, 0, 1, 0], [], []>, transpose_lhs_hint = false} : vector<10000x128xf32>, vector<128x128xf32>, vector<10000x128xf32> -> vector<10000x128xf32>
    %add3A_42 = arith.addf %add3A_33, %dot_general3A_41 : vector<10000x128xf32>
    %swap3A = arith.constant 0 : index
    %swap3A_43 = arith.constant 0 : index
    %swap3A_44 = vector.load %arg6[%swap3A, %swap3A_43] : memref<10000x128xf32, #tpu.memory_space<vmem>>, vector<10000x128xf32>
    tpu.vector_store %arg6[%swap3A, %swap3A_43], %add3A_42 {strides = array<i32>} : memref<10000x128xf32, #tpu.memory_space<vmem>>, vector<10000x128xf32>,
    return
  }
}

</mosaic_0001>

<sc_bundles>
// kernel: kernel.6.cloned.1.call-start
scs
__scs_entry_jumppad:
0x0: {  	(pc) =	sbr.rel $0x88, $3  }
0x1: {  	(tag) =	ssettag $0x0;
	lr =	simm.s32 $0x1  }
0x2: {  	[smem:$0x3F99] =	sst lr;
	_ =	strace $0xD0000000  }
0x3: {  	_ = 	snop  }
0x4: {  	_ = 	snop  }
0x5: {  	_ = 	snop  }
0x6: {  	_ = 	snop  }
0x7: {  	_ = 	snop  }
__scs_overlays_trampoline_lowered:
0x8: {  	[smem:$0x3FA8] =	sst s0  }
0x9: {  	[smem:$0x3FA9] =	sst s1  }
0xa: {  	[smem:$0x3FAA] =	sst s2  }
0xb: {  	[smem:$0x3FAB] =	sst s3  }
0xc: {  	[smem:$0x3FAC] =	sst s4  }
0xd: {  	[smem:$0x3FAD] =	sst s5  }
0xe: {  	[smem:$0x3FAE] =	sst s6  }
0xf: {  	[smem:$0x3FAF] =	sst s7  }
0x10: {  	[smem:$0x3FB0] =	sst s8  }
0x11: {  	[smem:$0x3FB1] =	sst s9;
	s0 =	simm.s32 @!p0 $0x0  }
0x12: {  	s1 =	sld [smem:$0x3F97];
	s0 =	simm.s32 @p0 $0x1  }
0x13: {  	[smem:$0x3FB2] =	sst s0;
	s0 =	simm.s32 @!p1 $0x0  }
0x14: {  	s2 =	sld [smem:$0x3F96];
	s0 =	simm.s32 @p1 $0x1  }
0x15: {  	[smem:$0x3FB3] =	sst s0;
	s0 =	simm.s32 @!p2 $0x0  }
0x16: {  	s3 =	sld [smem:$0x3FDB];
	s0 =	simm.s32 @p2 $0x1  }
0x17: {  	s4 =	simm.s32 $0x1BF5;
	[smem:$0x3FB5] =	sst s0  }
0x18: {  	s0 =	sld [smem:$0x3F98];
	_ =	swait.ge [sflag:s4], $0x0  }
0x19: {  	s7 =	sld [smem:$0x3F99]  }
0x1a: {  	s8 =	sadd.s32 $0xFFFFE003, lr  }
0x1b: {  	s9 =	sadd.s32 $0xFFFFFEF7, lr;
	s5 =	simm.s32 $0xFFFFFFFF;
	p2 =	slt.u32 s8, $0xFFFFF086  }
0x1c: {  	p1 =	slt.u32 s9, $0xF7A;
	s5 =	simm.s32 @!p2 $0x0  }
0x1d: {  	s5 =	simm.s32 @p1 $0x1;
	p0 =	seq.s32 s7, s2  }
0x1e: {  	s7 =	smul.u32 @!p0 $0xF7A, s2;
	p2 =	seq.s32 @!p0 s5, $0x0  }
0x1f: {  	s9 =	smul.u32 $0xF7A, s1;
	s8 =	simm.s32 @!p0 $0x1BF5;
	p2 =	por !p2, p0  }
0x20: {  	[sflag:s8] =	ssyncset.s32 @!p0 $0xFFFFF086;
	s6 =	sadd.s32 @!p0 s3, s7;
	s7 =	simm.s32 @!p0 $0x108  }
0x21: {  	s3 =	sadd.s32 s3, s9;
	s6 =	sadd.s32 @!p0 $0x88, s6;
	s7 =	simm.s32 @p2 $0x1082  }
0x22: {  	[simem:s7], [sflag:s8] =	dma.local @!p0 [hbm:s6], $0xF7A  }
0x23: {  	s9 =	sor.u32 $0xD0000000, s2;
	s6 =	simm.s32 $0x108;
	_ =	swait.ge @!p0 [sflag:s8], $0x0  }
0x24: {  	s3 =	sadd.s32 $0x88, s3;
	s6 =	simm.s32 @!p1 $0x1082;
	[sflag:s4] =	ssyncset.s32 $0xFFFFF086  }
0x25: {  	[simem:s6], [sflag:s4] =	dma.local [hbm:s3], $0xF7A  }
0x26: {  	[smem:$0x3F99] =	sst s1;
	(tag) =	ssettag s2;
	_ =	strace s9  }
0x27: {  	s1 =	sld [smem:$0x3FA9]  }
0x28: {  	s2 =	sld [smem:$0x3FAA]  }
0x29: {  	s4 =	sld [smem:$0x3FAC]  }
0x2a: {  	p0 =	seq.s32 s5, $0x0;
	s5 =	sld [smem:$0x3FAD]  }
0x2b: {  	s6 =	sld [smem:$0x3FAE]  }
0x2c: {  	s7 =	sld [smem:$0x3FAF]  }
0x2d: {  	s3 =	simm.s32 $0x108;
	s8 =	sld [smem:$0x3FB0]  }
0x2e: {  	s3 =	simm.s32 @!p0 $0x1082;
	s9 =	sld [smem:$0x3FB1]  }
0x2f: {  	lr =	sadd.s32 s0, s3;
	s0 =	sld [smem:$0x3FA8]  }
0x30: {  	s3 =	sld [smem:$0x3FAB]  }
0x31: {  	[smem:$0x3FB4] =	sst s10  }
0x32: {  	s10 =	sld [smem:$0x3FB2];
	_ =	sdelay $0x3  }
0x33: {  	p0 =	seq.s32 s10, $0x1;
	s10 =	sld [smem:$0x3FB4];
	_ =	sdelay $0x3  }
0x34: {  	[smem:$0x3FB4] =	sst s10  }
0x35: {  	s10 =	sld [smem:$0x3FB3];
	_ =	sdelay $0x3  }
0x36: {  	p1 =	seq.s32 s10, $0x1;
	s10 =	sld [smem:$0x3FB4];
	_ =	sdelay $0x3  }
0x37: {  	[smem:$0x3FB4] =	sst s10  }
0x38: {  	s10 =	sld [smem:$0x3FB5]  }
0x39: {  	_ = 	snop;
	(pc) =	sbr.ind lr, $3  }
0x3a: {  	_ = 	snop  }
0x3b: {  	_ = 	snop  }
0x3c: {  	p2 =	seq.s32 s10, $0x1;
	s10 =	sld [smem:$0x3FB4]  }
0x3d: {  	_ =	shalt  }
0x3e: {  	_ =	shalt  }
0x3f: {  	_ =	shalt  }
0x40: {  	_ =	shalt  }
0x41: {  	_ =	shalt  }
0x42: {  	_ =	shalt  }
0x43: {  	_ =	shalt  }
0x44: {  	_ =	shalt  }
0x45: {  	_ =	shalt  }
0x46: {  	_ =	shalt  }
0x47: {  	_ =	shalt  }
0x48: {  	_ =	shalt  }
0x49: {  	_ =	shalt  }
0x4a: {  	_ =	shalt  }
0x4b: {  	_ =	shalt  }
0x4c: {  	_ =	shalt  }
0x4d: {  	_ =	shalt  }
0x4e: {  	_ =	shalt  }
0x4f: {  	_ =	shalt  }
0x50: {  	_ =	shalt  }
0x51: {  	_ =	shalt  }
0x52: {  	_ =	shalt  }
0x53: {  	_ =	shalt  }
0x54: {  	_ =	shalt  }
0x55: {  	_ =	shalt  }
0x56: {  	_ =	shalt  }
0x57: {  	_ =	shalt  }
0x58: {  	_ =	shalt  }
0x59: {  	_ =	shalt  }
0x5a: {  	_ =	shalt  }
0x5b: {  	_ =	shalt  }
0x5c: {  	_ =	shalt  }
0x5d: {  	_ =	shalt  }
0x5e: {  	_ =	shalt  }
0x5f: {  	_ =	shalt  }
0x60: {  	_ =	shalt  }
0x61: {  	_ =	shalt  }
0x62: {  	_ =	shalt  }
0x63: {  	_ =	shalt  }
0x64: {  	_ =	shalt  }
0x65: {  	_ =	shalt  }
0x66: {  	_ =	shalt  }
0x67: {  	_ =	shalt  }
0x68: {  	_ =	shalt  }
0x69: {  	_ =	shalt  }
0x6a: {  	_ =	shalt  }
0x6b: {  	_ =	shalt  }
0x6c: {  	_ =	shalt  }
0x6d: {  	_ =	shalt  }
0x6e: {  	_ =	shalt  }
0x6f: {  	_ =	shalt  }
0x70: {  	_ =	shalt  }
0x71: {  	_ =	shalt  }
0x72: {  	_ =	shalt  }
0x73: {  	_ =	shalt  }
0x74: {  	_ =	shalt  }
0x75: {  	_ =	shalt  }
0x76: {  	_ =	shalt  }
0x77: {  	_ =	shalt  }
0x78: {  	_ =	shalt  }
0x79: {  	_ =	shalt  }
0x7a: {  	_ =	shalt  }
0x7b: {  	_ =	shalt  }
0x7c: {  	_ =	shalt  }
0x7d: {  	_ =	shalt  }
0x7e: {  	_ =	shalt  }
0x7f: {  	_ =	shalt  }
0x80: {  	_ =	shalt  }
0x81: {  	_ =	shalt  }
0x82: {  	_ =	shalt  }
0x83: {  	_ =	shalt  }
0x84: {  	_ =	shalt  }
0x85: {  	_ =	shalt  }
0x86: {  	_ =	shalt  }
0x87: {  	_ =	shalt  }
.Lfunc_end0:
.L_simem_size_0:
called_computation_lowered:
.L_overlay_start_0:
0x88: {  	s2 =	sld [smem:$0x3FD9]  }
0x89: {  	s3 =	sld [smem:$0x3FFE];
	_ =	sdelay $0x1  }
0x8a: {  	s1 =	srdreg.scid  }
0x8b: {  	s0 =	sand.u32 $0x1, s1  }
0x8c: {  	s17 =	sshll.u32 s0, $0xA;
	s2 =	sadd.s32 s3, s2  }
0x8d: {  	s2 =	sadd.s32 s2, s17  }
0x8e: {  	[smem:$0x3FC0] =	sst s2  }
0x8f: {  	_ = 	snop  }
0x90: {  	s2 =	sld [smem:$0x3FC9]  }
0x91: {  	s18 =	sld [smem:$0x3FD0];
	(tm) =	ssettm $0x1  }
0x92: {  	s4 =	sld [smem:$0x3FFB];
	_ =	sdelay $0x3  }
0x93: {  	_ =	strace s4  }
0x94: {  	s4 =	sld [smem:$0x3FFC];
	_ =	sdelay $0x3  }
0x95: {  	_ =	strace s4  }
0x96: {  	s4 =	sld [smem:$0x3FFD];
	_ =	sdelay $0x3  }
0x97: {  	_ =	strace s4  }
0x98: {  	_ =	strace $0x8FFFFFFF  }
0x99: {  	s19 =	sld [smem:$0x3FDB];
	_ =	sdelay $0x1  }
0x9a: {  	s5 =	simm.s32 $_scs_section_size  }
0x9b: {  	s6 =	simm.s32 $_size__tile_overlayer_lowered;
	s7 =	simm.s32 $_tile_overlayer_lowered  }
0x9c: {  	s22 =	simm.s32 $0x1BFF;
	s21 =	sshll.u32 s7, $0x1;
	s4 =	sadd.s32 s5, s19  }
0x9d: {  	s8 =	simm.s32 $0x0;
	s20 =	sshll.u32 s6, $0x1;
	s6 =	sadd.s32 s21, s4  }
0x9e: {  	[timem:s8], [sflag:s22] =	dma.local [hbm:s6], s20  }
0x9f: {  	_ =	swait.ge [sflag:s22], s20  }
0xa0: {  	s5 =	ssub.s32 $0x0, s20;
	[sflag:s22] =	ssyncset.done $0x0  }
0xa1: {  	[sflag:s22] =	ssyncadd.s32 s5;
	_ =	sdelay $0x1  }
0xa2: {  	s23 =	simm.s32 $0x1B8B  }
0xa3: {  	_ =	swait.ge [sflag:s23], $0x1  }
0xa4: {  	[sflag:s23] =	ssyncset.done $0x0  }
0xa5: {  	s25 =	simm.s32 $0x1B8E;
	s24 =	sld [smem:$0x3FFE];
	[sflag:s23] =	ssyncadd.s32 $0xFFFFFFFF  }
0xa6: {  	s26 =	simm.s32 $execute0_lowered;
	[smem:$0x3FD2] =	sst s25  }
0xa7: {  	s6 =	sshll.u32 s26, $0x1;
	_ =	strace $0x80000046;
	[dreg:$0x1] =	wrdreg $0xFFFFFFFF  }
0xa8: {  	s28 =	simm.s32 $_size_execute0_lowered;
	s4 =	sadd.s32 s4, s6;
	[dreg:$0x0] =	wrdreg $0x0  }
0xa9: {  	s6 =	sshll.u32 s28, $0x1;
	[dreg:$0x2] =	wrdreg s4  }
0xaa: {  	[dreg:$0x3] =	wrdreg s6  }
0xab: {  	[dreg:$0x4] =	wrdreg $0xC0  }
0xac: {  	_ =	task [dreg:s8], $0x5FFFF  }
0xad: {  	[dreg:$0x1] =	wrdreg $0xFFFFFFFF  }
0xae: {  	[dreg:$0x0] =	wrdreg $0x60  }
0xaf: {  	[dreg:$0x2] =	wrdreg s2  }
0xb0: {  	[dreg:$0x3] =	wrdreg s24  }
0xb1: {  	[dreg:$0x4] =	wrdreg s18  }
0xb2: {  	[dreg:$0x5] =	wrdreg $0x0  }
0xb3: {  	[dreg:$0x6] =	wrdreg $0x140000  }
0xb4: {  	[dreg:$0x7] =	wrdreg $0x9  }
0xb5: {  	_ =	task.clear_ibuf [dreg:s8], $0x8FFFF;
	_ =	strace $0x90000046  }
0xb6: {  	s29 =	simm.s32 $0x9;
	_ =	strace $0x80000048  }
0xb7: {  	_ =	swait.ge [sflag:s29], $0x1  }
0xb8: {  	[sflag:s29] =	ssyncadd.s32 $0xFFFFFFFF  }
0xb9: {  	_ =	strace $0x90000048  }
0xba: {  	_ =	sfence  }
0xbb: {  	s30 =	sld [smem:$0x0];
	_ =	sdelay $0x2  }
0xbc: {  	s31 =	sshll.u32 s1, $0xD;
	s1 =	sshrl.u32 s1, $0x2  }
0xbd: {  	s3 =	sand.u32 $0x4000, s31;
	s1 =	sadd.s32 s1, s30  }
0xbe: {  	s0 =	sor.u32 s3, s0;
	s1 =	sshll.u32 s1, $0x11  }
0xbf: {  	s0 =	sor.u32 s1, s0  }
0xc0: {  	s0 =	sadd.s32 $0x8F2B, s0  }
0xc1: {  	[sflag:s0] =	ssyncadd.remote.s32 $0x1  }
0xc2: {  	_ =	sfence.sel $0xFFFF  }
0xc3: {  	[dreg:$0x0] =	wrdreg $0xFFFFFFFF;
	(pc) =	sbr.abs _section_cstart, $3  }
0xc4: {  	[dreg:$0x1] =	wrdreg $0xFFFFFFFF  }
0xc5: {  	_ =	task.clear_ibuf [dreg:s8], $0x2FFFF;
	_ =	strace $0x9FFFFFFF  }
0xc6: {  	(tm) =	ssettm $0x7FFFFFFF  }
0xc7: {  	_ =	shalt  }
tec
execute0_lowered:
.L_overlay_start_1:
0x0: {  	(tag) =	ssettag $0x1  }
0x1: {  	s1 =	rddreg [dreg:$0x0]  }
0x2: {  	s0 =	rddreg [dreg:$0x1]  }
0x3: {  	s2 =	rddreg [dreg:$0x2]  }
0x4: {  	s3 =	rddreg [dreg:$0x3]  }
0x5: {  	s4 =	rddreg [dreg:$0x4];
	s8 =	stileid.u32;
	s5 =	simm.s32 $0x0  }
0x6: {  	s7 =	srdreg.scid;
	s28 =	simm.s32 $0x18380;
	s29 =	simm.s32 $0x14280  }
0x7: {  	s30 =	simm.s32 $0x14300;
	s6 =	smul.u32 $0x9E0, s8;
	[smem:$0x7FF] =	sst s5  }
0x8: {  	s7 =	sand.u32 $0x1, s7;
	s14 =	smul.u32 $0x280, s8;
	s10 =	sadd.s32 $0x15E00, s0  }
0x9: {  	s22 =	sadd.s32 $0x15C00, s0;
	_ =	strace $0x80000047;
	[dreg:$0x6] =	wrdreg s10  }
0xa: {  	s21 =	smul.u32 $0x50000, s8;
	s23 =	sadd.s32 $0x15A00, s0;
	[dreg:$0x7] =	wrdreg s22  }
0xb: {  	s31 =	simm.s32 $0x80;
	s9 =	smul.u32 $0x2800, s7;
	[dreg:$0x8] =	wrdreg s23  }
0xc: {  	s11 =	ssub.s32 $0x2, s7;
	s7 =	smul.u32 $0x4F0, s7;
	s6 =	sadd.s32 s6, s0  }
0xd: {  	s10 =	sshrl.u32 s21, $0x2;
	s12 =	sshrl.u32 s11, $0x1;
	s19 =	sadd.s32 s14, s9  }
0xe: {  	s21 =	ssub.s32 s11, s12;
	s14 =	sadd.s32 s14, s4;
	s26 =	sadd.s32 s7, s6  }
0xf: {  	s9 =	sshll.u32 s19, $0x4;
	s20 =	sshrl.u32 s19, $0x3;
	s21 =	smax.u32 s21, $0x1  }
0x10: {  	s22 =	sadd.s32 $0x1E00, s26;
	s23 =	sadd.s32 $0xBC00, s26;
	s26 =	simm.s32 $0x18400  }
0x11: {  	s0 =	sadd.s32 s9, s0;
	s9 =	sadd.s32 s10, s3;
	s20 =	sadd.s32 s2, s20  }
0x12: {  	s2 =	simm.s32 $0x0;
	s10 =	sadd.s32 $0x4000, s9;
	s11 =	sadd.s32 $0x8000, s9  }
0x13: {  	s12 =	sadd.s32 $0xC000, s9;
	s13 =	sadd.s32 $0x10000, s9;
	s24 =	sadd.s32 $0x16600, s0  }
0x14: {  	s25 =	sadd.s32 $0x16E00, s0;
	s17 =	sadd.s32 $0x17600, s0;
	s18 =	sadd.s32 $0x17E00, s0  }
0x15: {  	s19 =	sadd.s32 $0x18600, s0;
	s0 =	simm.s32 $0x1;
	[dreg:$0x9] =	wrdreg s24  }
0x16: {  	[dreg:$0xa] =	wrdreg s25;
	s24 =	simm.s32 $0x14380;
	s25 =	simm.s32 $0x2  }
.LBB2_1:
0x17: {  	s6 =	rddreg [dreg:$0x6]  }
0x18: {  	[tilespmem:s24], [sflag:$0x2] =	stream.linear.gather [hbm4b:s6+s5], $0x4000, $0x38;
	[tilespmem:$0x18680] =	vst v63  }
0x19: {  	_ =	swait.ge [sflag:s25], $0x4000  }
0x1a: {  	[sflag:s25] =	ssyncset.done $0x0  }
0x1b: {  	[sflag:s25] =	ssyncadd.s32 $0xFFFFC000  }
0x1c: {  	[spmem:s9] =	stream.linear.scatter [tilespmem:s24], [sflag:$0x2], $0x4000, $0x38;
	[tilespmem:$0x18680] =	vst v63  }
0x1d: {  	_ =	swait.ge [sflag:s25], $0x4000  }
0x1e: {  	[sflag:s25] =	ssyncset.done $0x0  }
0x1f: {  	[sflag:s25] =	ssyncadd.s32 $0xFFFFC000  }
0x20: {  	[spmem:s10] =	stream.linear.scatter [tilespmem:s24], [sflag:$0x2], $0x4000, $0x38;
	[tilespmem:$0x18680] =	vst v63  }
0x21: {  	_ =	swait.ge [sflag:s25], $0x4000  }
0x22: {  	[sflag:s25] =	ssyncset.done $0x0  }
0x23: {  	[sflag:s25] =	ssyncadd.s32 $0xFFFFC000  }
0x24: {  	[spmem:s11] =	stream.linear.scatter [tilespmem:s24], [sflag:$0x2], $0x4000, $0x38;
	[tilespmem:$0x18680] =	vst v63  }
0x25: {  	_ =	swait.ge [sflag:s25], $0x4000  }
0x26: {  	[sflag:s25] =	ssyncset.done $0x0  }
0x27: {  	[sflag:s25] =	ssyncadd.s32 $0xFFFFC000  }
0x28: {  	[spmem:s12] =	stream.linear.scatter [tilespmem:s24], [sflag:$0x2], $0x4000, $0x38;
	[tilespmem:$0x18680] =	vst v63  }
0x29: {  	_ =	swait.ge [sflag:s25], $0x4000  }
0x2a: {  	[sflag:s25] =	ssyncset.done $0x0  }
0x2b: {  	[sflag:s25] =	ssyncadd.s32 $0xFFFFC000  }
0x2c: {  	[spmem:s13] =	stream.linear.scatter [tilespmem:s24], [sflag:$0x2], $0x4000, $0x38;
	[tilespmem:$0x18680] =	vst v63  }
0x2d: {  	_ =	swait.ge [sflag:s25], $0x4000  }
0x2e: {  	[sflag:s25] =	ssyncset.done $0x0  }
0x2f: {  	s7 =	rddreg [dreg:$0x7];
	[sflag:s25] =	ssyncadd.s32 $0xFFFFC000  }
0x30: {  	[tilespmem:s26], [sflag:$0x2] =	stream.linear.gather [hbm4b:s7+s5], $0x280, $0x38;
	[tilespmem:$0x18680] =	vst v63  }
0x31: {  	_ =	swait.ge [sflag:s25], $0x280  }
0x32: {  	[sflag:s25] =	ssyncset.done $0x0  }
0x33: {  	[sflag:s25] =	ssyncadd.s32 $0xFFFFFD80  }
0x34: {  	[spmem:s14] =	stream.linear.scatter [tilespmem:s26], [sflag:$0x2], $0x280, $0x38;
	[tilespmem:$0x18680] =	vst v63  }
0x35: {  	_ =	swait.ge [sflag:s25], $0x280  }
0x36: {  	[sflag:s25] =	ssyncset.done $0x0  }
0x37: {  	s8 =	rddreg [dreg:$0x8];
	[sflag:s25] =	ssyncadd.s32 $0xFFFFFD80  }
0x38: {  	[tilespmem:s28], [sflag:$0x2] =	stream.linear.gather [hbm4b:s8+s5], $0x80, $0x38;
	[tilespmem:$0x18680] =	vst v63  }
0x39: {  	_ =	swait.ge [sflag:s25], $0x80  }
0x3a: {  	[sflag:s25] =	ssyncset.done $0x0  }
0x3b: {  	[sflag:s25] =	ssyncadd.s32 $0xFFFFFF80  }
0x3c: {  	s15 =	sadd.s32 $0x0, s23;
	[bflag:$0x0] =	sbarrier.arrive $0xFFFF  }
0x3d: {  	[tilespmem:s29], [sflag:$0x2] =	stream.linear.gather [hbm4b:s15+s5], $0x80, $0x38;
	[tilespmem:$0x18680] =	vst v63  }
0x3e: {  	_ =	swait.ge [sflag:s25], $0x80  }
0x3f: {  	[sflag:s25] =	ssyncset.done $0x0  }
0x40: {  	s16 =	sadd.s32 $0x0, s22;
	[sflag:s25] =	ssyncadd.s32 $0xFFFFFF80  }
0x41: {  	[tilespmem:s30], [sflag:$0x2] =	stream.linear.gather [hbm4b:s16+s5], $0x80, $0x38;
	[tilespmem:$0x18680] =	vst v63  }
0x42: {  	_ =	swait.ge [sflag:s25], $0x80  }
0x43: {  	[sflag:s25] =	ssyncset.done $0x0  }
0x44: {  	[sflag:s25] =	ssyncadd.s32 $0xFFFFFF80  }
0x45: {  	[tilespmem:s24], [sflag:$0x1] =	stream.indirect.gather [hbm4b:s1+s31], $0x80, s29, s31, $0xb8;
	[tilespmem:$0x18680] =	vst v63  }
0x46: {  	_ =	swait.ge [sflag:s0], $0x4000  }
0x47: {  	[sflag:s0] =	ssyncset.done $0x0  }
0x48: {  	[sflag:s0] =	ssyncadd.s32 $0xFFFFC000  }
0x49: {  	[spmem:s3] =	stream.indirect.scatter.add.f32 [tilespmem:s24], [sflag:$0x2], $0x80, s30, s31, $0xb8;
	[tilespmem:$0x18680] =	vst v63  }
0x4a: {  	_ =	swait.ge [sflag:s25], $0x4000  }
0x4b: {  	[sflag:s25] =	ssyncset.done $0x0  }
0x4c: {  	[sflag:s25] =	ssyncadd.s32 $0xFFFFC000  }
0x4d: {  	[spmem:s4] =	stream.indirect.scatter.add.f32 [tilespmem:s28], [sflag:$0x2], $0x1, s30, s31, $0xb8;
	[tilespmem:$0x18680] =	vst v63  }
0x4e: {  	_ =	swait.ge [sflag:s25], $0x80  }
0x4f: {  	s6 =	simm.s32 $0x10;
	s7 =	simm.s32 $0x20;
	[sflag:s25] =	ssyncset.done $0x0  }
.LBB2_2:
0x50: {  	s8 =	sadd.s32 s6, s23  }
0x51: {  	[sflag:s25] =	ssyncadd.s32 $0xFFFFFF80;
	s15 =	smov.u32 s7;
	s16 =	sadd.s32 $0x10, s7  }
0x52: {  	[tilespmem:s29], [sflag:$0x2] =	stream.linear.gather [hbm4b:s8+s5], $0x80, $0x38;
	[tilespmem:$0x18680] =	vst v63  }
0x53: {  	p0 =	sne.s32 s7, $0x4E0;
	_ =	swait.ge [sflag:s25], $0x80  }
0x54: {  	[sflag:s25] =	ssyncset.done $0x0  }
0x55: {  	s7 =	sadd.s32 s6, s22;
	s6 =	smov.u32 s15;
	[sflag:s25] =	ssyncadd.s32 $0xFFFFFF80  }
0x56: {  	[tilespmem:s30], [sflag:$0x2] =	stream.linear.gather [hbm4b:s7+s5], $0x80, $0x38;
	[tilespmem:$0x18680] =	vst v63  }
0x57: {  	_ =	swait.ge [sflag:s25], $0x80  }
0x58: {  	[sflag:s25] =	ssyncset.done $0x0  }
0x59: {  	[sflag:s25] =	ssyncadd.s32 $0xFFFFFF80  }
0x5a: {  	[tilespmem:s24], [sflag:$0x1] =	stream.indirect.gather [hbm4b:s1+s31], $0x80, s29, s31, $0xb8;
	[tilespmem:$0x18680] =	vst v63  }
0x5b: {  	_ =	swait.ge [sflag:s0], $0x4000  }
0x5c: {  	[sflag:s0] =	ssyncset.done $0x0  }
0x5d: {  	[sflag:s0] =	ssyncadd.s32 $0xFFFFC000  }
0x5e: {  	[spmem:s3] =	stream.indirect.scatter.add.f32 [tilespmem:s24], [sflag:$0x2], $0x80, s30, s31, $0xb8;
	[tilespmem:$0x18680] =	vst v63  }
0x5f: {  	_ =	swait.ge [sflag:s25], $0x4000  }
.Ltmp0:
0x60: {  	[sflag:s25] =	ssyncset.done $0x0;
	(pc) =	sbr.rel @p0 .LBB2_2-.Ltmp0, $4  }
0x61: {  	[sflag:s25] =	ssyncadd.s32 $0xFFFFC000  }
0x62: {  	[spmem:s4] =	stream.indirect.scatter.add.f32 [tilespmem:s28], [sflag:$0x2], $0x1, s30, s31, $0xb8;
	[tilespmem:$0x18680] =	vst v63  }
0x63: {  	_ =	swait.ge [sflag:s25], $0x80  }
0x64: {  	s7 =	smov.u32 s16;
	[sflag:s25] =	ssyncset.done $0x0  }
0x65: {  	s7 =	sadd.s32 s6, s23;
	[sflag:s25] =	ssyncadd.s32 $0xFFFFFF80  }
0x66: {  	[tilespmem:s29], [sflag:$0x2] =	stream.linear.gather [hbm4b:s7+s5], $0x80, $0x38;
	[tilespmem:$0x18680] =	vst v63  }
0x67: {  	_ =	swait.ge [sflag:s25], $0x80  }
0x68: {  	[sflag:s25] =	ssyncset.done $0x0  }
0x69: {  	s8 =	sadd.s32 s6, s22;
	[sflag:s25] =	ssyncadd.s32 $0xFFFFFF80  }
0x6a: {  	[tilespmem:s30], [sflag:$0x2] =	stream.linear.gather [hbm4b:s8+s5], $0x80, $0x38;
	[tilespmem:$0x18680] =	vst v63  }
0x6b: {  	_ =	swait.ge [sflag:s25], $0x80  }
0x6c: {  	[sflag:s25] =	ssyncset.done $0x0  }
0x6d: {  	[sflag:s25] =	ssyncadd.s32 $0xFFFFFF80  }
0x6e: {  	[tilespmem:s24], [sflag:$0x1] =	stream.indirect.gather [hbm4b:s1+s31], $0x80, s29, s31, $0xb8;
	[tilespmem:$0x18680] =	vst v63  }
0x6f: {  	_ =	swait.ge [sflag:s0], $0x4000  }
0x70: {  	[sflag:s0] =	ssyncset.done $0x0  }
0x71: {  	[sflag:s0] =	ssyncadd.s32 $0xFFFFC000  }
0x72: {  	[spmem:s3] =	stream.indirect.scatter.add.f32 [tilespmem:s24], [sflag:$0x2], $0x80, s30, s31, $0xb8;
	[tilespmem:$0x18680] =	vst v63  }
0x73: {  	_ =	swait.ge [sflag:s25], $0x4000  }
0x74: {  	[sflag:s25] =	ssyncset.done $0x0  }
0x75: {  	[sflag:s25] =	ssyncadd.s32 $0xFFFFC000  }
0x76: {  	[spmem:s4] =	stream.indirect.scatter.add.f32 [tilespmem:s28], [sflag:$0x2], $0x1, s30, s31, $0xb8;
	[tilespmem:$0x18680] =	vst v63  }
0x77: {  	_ =	swait.ge [sflag:s25], $0x80  }
0x78: {  	[sflag:s25] =	ssyncset.done $0x0  }
0x79: {  	[sflag:s25] =	ssyncadd.s32 $0xFFFFFF80  }
0x7a: {  	[bflag:$0x0] =	sbarrier.arrive $0xFFFF  }
0x7b: {  	[tilespmem:s24], [sflag:$0x2] =	stream.linear.gather [spmem:s9], $0x4000, $0x38;
	[tilespmem:$0x18680] =	vst v63  }
0x7c: {  	_ =	swait.ge [sflag:s25], $0x4000  }
0x7d: {  	[sflag:s25] =	ssyncset.done $0x0  }
0x7e: {  	s15 =	rddreg [dreg:$0x9];
	[sflag:s25] =	ssyncadd.s32 $0xFFFFC000  }
0x7f: {  	[hbm4b:s15+s5] =	stream.linear.scatter [tilespmem:s24], [sflag:$0x2], $0x4000, $0x38;
	[tilespmem:$0x18680] =	vst v63  }
0x80: {  	_ =	swait.ge [sflag:s25], $0x4000  }
0x81: {  	[sflag:s25] =	ssyncset.done $0x0  }
0x82: {  	[sflag:s25] =	ssyncadd.s32 $0xFFFFC000  }
0x83: {  	[tilespmem:s24], [sflag:$0x2] =	stream.linear.gather [spmem:s10], $0x4000, $0x38;
	[tilespmem:$0x18680] =	vst v63  }
0x84: {  	_ =	swait.ge [sflag:s25], $0x4000  }
0x85: {  	[sflag:s25] =	ssyncset.done $0x0  }
0x86: {  	s16 =	rddreg [dreg:$0xa];
	[sflag:s25] =	ssyncadd.s32 $0xFFFFC000  }
0x87: {  	[hbm4b:s16+s5] =	stream.linear.scatter [tilespmem:s24], [sflag:$0x2], $0x4000, $0x38;
	[tilespmem:$0x18680] =	vst v63  }
0x88: {  	_ =	swait.ge [sflag:s25], $0x4000  }
0x89: {  	[sflag:s25] =	ssyncset.done $0x0  }
0x8a: {  	[sflag:s25] =	ssyncadd.s32 $0xFFFFC000  }
0x8b: {  	[tilespmem:s24], [sflag:$0x2] =	stream.linear.gather [spmem:s11], $0x4000, $0x38;
	[tilespmem:$0x18680] =	vst v63  }
0x8c: {  	_ =	swait.ge [sflag:s25], $0x4000  }
0x8d: {  	[sflag:s25] =	ssyncset.done $0x0  }
0x8e: {  	[sflag:s25] =	ssyncadd.s32 $0xFFFFC000  }
0x8f: {  	[hbm4b:s17+s5] =	stream.linear.scatter [tilespmem:s24], [sflag:$0x2], $0x4000, $0x38;
	[tilespmem:$0x18680] =	vst v63  }
0x90: {  	_ =	swait.ge [sflag:s25], $0x4000  }
0x91: {  	[sflag:s25] =	ssyncset.done $0x0  }
0x92: {  	[sflag:s25] =	ssyncadd.s32 $0xFFFFC000  }
0x93: {  	[tilespmem:s24], [sflag:$0x2] =	stream.linear.gather [spmem:s12], $0x4000, $0x38;
	[tilespmem:$0x18680] =	vst v63  }
0x94: {  	_ =	swait.ge [sflag:s25], $0x4000  }
0x95: {  	[sflag:s25] =	ssyncset.done $0x0  }
0x96: {  	[sflag:s25] =	ssyncadd.s32 $0xFFFFC000  }
0x97: {  	[hbm4b:s18+s5] =	stream.linear.scatter [tilespmem:s24], [sflag:$0x2], $0x4000, $0x38;
	[tilespmem:$0x18680] =	vst v63  }
0x98: {  	_ =	swait.ge [sflag:s25], $0x4000  }
0x99: {  	[sflag:s25] =	ssyncset.done $0x0  }
0x9a: {  	[sflag:s25] =	ssyncadd.s32 $0xFFFFC000  }
0x9b: {  	[tilespmem:s24], [sflag:$0x2] =	stream.linear.gather [spmem:s13], $0x4000, $0x38;
	[tilespmem:$0x18680] =	vst v63  }
0x9c: {  	_ =	swait.ge [sflag:s25], $0x4000  }
0x9d: {  	[sflag:s25] =	ssyncset.done $0x0  }
0x9e: {  	[sflag:s25] =	ssyncadd.s32 $0xFFFFC000  }
0x9f: {  	[hbm4b:s19+s5] =	stream.linear.scatter [tilespmem:s24], [sflag:$0x2], $0x4000, $0x38;
	[tilespmem:$0x18680] =	vst v63  }
0xa0: {  	_ =	swait.ge [sflag:s25], $0x4000  }
0xa1: {  	[sflag:s25] =	ssyncset.done $0x0  }
0xa2: {  	[sflag:s25] =	ssyncadd.s32 $0xFFFFC000  }
0xa3: {  	[tilespmem:s26], [sflag:$0x2] =	stream.linear.gather [spmem:s14], $0x280, $0x38;
	[tilespmem:$0x18680] =	vst v63  }
0xa4: {  	s2 =	sadd.s32 $0x1, s2;
	_ =	swait.ge [sflag:s25], $0x280  }
0xa5: {  	p0 =	sne.s32 s2, s21;
	[sflag:s25] =	ssyncset.done $0x0  }
.Ltmp1:
0xa6: {  	[sflag:s25] =	ssyncadd.s32 $0xFFFFFD80;
	(pc) =	sbr.rel @p0 .LBB2_1-.Ltmp1, $4  }
0xa7: {  	[hbm4b:s20+s5] =	stream.linear.scatter [tilespmem:s26], [sflag:$0x2], $0x280, $0x38;
	[tilespmem:$0x18680] =	vst v63  }
0xa8: {  	_ =	swait.ge [sflag:s25], $0x280  }
0xa9: {  	[sflag:s25] =	ssyncset.done $0x0  }
0xaa: {  	[sflag:s25] =	ssyncadd.s32 $0xFFFFFD80  }
0xab: {  	_ =	sfence.sel $0x180000  }
0xac: {  	[bflag:$0x0] =	sbarrier.arrive $0xFFFF  }
0xad: {  	_ =	strace $0x90000047  }
0xae: {  	s0 =	stileid.u32;
	[bflag:$0x2] =	sbarrier.arrive $0xFFFF  }
0xaf: {  	p0 =	sne.s32 s0, $0x0;
	s0 =	rddreg [dreg:$0x5]  }
0xb0: {  	s0 =	sadd.s32 @!p0 $0x100000, s0  }
0xb1: {  	[sflag:s0] =	ssyncadd.tile.s32 @!p0 $0x1;
	_ =	shalt  }
.Lfunc_end2:
_tile_overlayer_lowered:
.L_overlay_start_2:
0xb2: {  	(tag) =	ssettag $0x2  }
0xb3: {  	s0 =	rddreg [dreg:$0x0];
	s2 =	stileid.u32  }
0xb4: {  	s1 =	rddreg [dreg:$0x1];
	p0 =	sne.s32 s2, $0x0  }
0xb5: {  	s3 =	rddreg [dreg:$0x2];
	[bflag:$0x3] =	sbarrier.arrive $0xFFFF;
	s2 =	simm.s32 @!p0 $0x1C02  }
0xb6: {  	[timem:s3], [sflag:s2] =	dma.local @!p0 [hbm:s0], s1  }
0xb7: {  	s0 =	simm.s32 @!p0 $0x2  }
0xb8: {  	_ =	swait.ge @!p0 [sflag:s0], s1  }
0xb9: {  	s1 =	ssub.s32 @!p0 $0x0, s1;
	[sflag:s0] =	ssyncset.done @!p0 $0x0  }
0xba: {  	[sflag:s0] =	ssyncadd.s32 @!p0 s1  }
0xbb: {  	[bflag:$0x3] =	sbarrier.arrive $0xFFFF  }
0xbc: {  	_ =	shalt  }

// kernel: kernel.9.cloned.1.call-start
scs
__scs_entry_jumppad:
0x0: {  	(pc) =	sbr.rel $0x88, $3  }
0x1: {  	(tag) =	ssettag $0x0;
	lr =	simm.s32 $0x1  }
0x2: {  	[smem:$0x3F99] =	sst lr;
	_ =	strace $0xD0000000  }
0x3: {  	_ = 	snop  }
0x4: {  	_ = 	snop  }
0x5: {  	_ = 	snop  }
0x6: {  	_ = 	snop  }
0x7: {  	_ = 	snop  }
__scs_overlays_trampoline_lowered:
0x8: {  	[smem:$0x3FA8] =	sst s0  }
0x9: {  	[smem:$0x3FA9] =	sst s1  }
0xa: {  	[smem:$0x3FAA] =	sst s2  }
0xb: {  	[smem:$0x3FAB] =	sst s3  }
0xc: {  	[smem:$0x3FAC] =	sst s4  }
0xd: {  	[smem:$0x3FAD] =	sst s5  }
0xe: {  	[smem:$0x3FAE] =	sst s6  }
0xf: {  	[smem:$0x3FAF] =	sst s7  }
0x10: {  	[smem:$0x3FB0] =	sst s8  }
0x11: {  	[smem:$0x3FB1] =	sst s9;
	s0 =	simm.s32 @!p0 $0x0  }
0x12: {  	s1 =	sld [smem:$0x3F97];
	s0 =	simm.s32 @p0 $0x1  }
0x13: {  	[smem:$0x3FB2] =	sst s0;
	s0 =	simm.s32 @!p1 $0x0  }
0x14: {  	s2 =	sld [smem:$0x3F96];
	s0 =	simm.s32 @p1 $0x1  }
0x15: {  	[smem:$0x3FB3] =	sst s0;
	s0 =	simm.s32 @!p2 $0x0  }
0x16: {  	s3 =	sld [smem:$0x3FDB];
	s0 =	simm.s32 @p2 $0x1  }
0x17: {  	s4 =	simm.s32 $0x1BF5;
	[smem:$0x3FB5] =	sst s0  }
0x18: {  	s0 =	sld [smem:$0x3F98];
	_ =	swait.ge [sflag:s4], $0x0  }
0x19: {  	s7 =	sld [smem:$0x3F99]  }
0x1a: {  	s8 =	sadd.s32 $0xFFFFE003, lr  }
0x1b: {  	s9 =	sadd.s32 $0xFFFFFEF7, lr;
	s5 =	simm.s32 $0xFFFFFFFF;
	p2 =	slt.u32 s8, $0xFFFFF086  }
0x1c: {  	p1 =	slt.u32 s9, $0xF7A;
	s5 =	simm.s32 @!p2 $0x0  }
0x1d: {  	s5 =	simm.s32 @p1 $0x1;
	p0 =	seq.s32 s7, s2  }
0x1e: {  	s7 =	smul.u32 @!p0 $0xF7A, s2;
	p2 =	seq.s32 @!p0 s5, $0x0  }
0x1f: {  	s9 =	smul.u32 $0xF7A, s1;
	s8 =	simm.s32 @!p0 $0x1BF5;
	p2 =	por !p2, p0  }
0x20: {  	[sflag:s8] =	ssyncset.s32 @!p0 $0xFFFFF086;
	s6 =	sadd.s32 @!p0 s3, s7;
	s7 =	simm.s32 @!p0 $0x108  }
0x21: {  	s3 =	sadd.s32 s3, s9;
	s6 =	sadd.s32 @!p0 $0x88, s6;
	s7 =	simm.s32 @p2 $0x1082  }
0x22: {  	[simem:s7], [sflag:s8] =	dma.local @!p0 [hbm:s6], $0xF7A  }
0x23: {  	s9 =	sor.u32 $0xD0000000, s2;
	s6 =	simm.s32 $0x108;
	_ =	swait.ge @!p0 [sflag:s8], $0x0  }
0x24: {  	s3 =	sadd.s32 $0x88, s3;
	s6 =	simm.s32 @!p1 $0x1082;
	[sflag:s4] =	ssyncset.s32 $0xFFFFF086  }
0x25: {  	[simem:s6], [sflag:s4] =	dma.local [hbm:s3], $0xF7A  }
0x26: {  	[smem:$0x3F99] =	sst s1;
	(tag) =	ssettag s2;
	_ =	strace s9  }
0x27: {  	s1 =	sld [smem:$0x3FA9]  }
0x28: {  	s2 =	sld [smem:$0x3FAA]  }
0x29: {  	s4 =	sld [smem:$0x3FAC]  }
0x2a: {  	p0 =	seq.s32 s5, $0x0;
	s5 =	sld [smem:$0x3FAD]  }
0x2b: {  	s6 =	sld [smem:$0x3FAE]  }
0x2c: {  	s7 =	sld [smem:$0x3FAF]  }
0x2d: {  	s3 =	simm.s32 $0x108;
	s8 =	sld [smem:$0x3FB0]  }
0x2e: {  	s3 =	simm.s32 @!p0 $0x1082;
	s9 =	sld [smem:$0x3FB1]  }
0x2f: {  	lr =	sadd.s32 s0, s3;
	s0 =	sld [smem:$0x3FA8]  }
0x30: {  	s3 =	sld [smem:$0x3FAB]  }
0x31: {  	[smem:$0x3FB4] =	sst s10  }
0x32: {  	s10 =	sld [smem:$0x3FB2];
	_ =	sdelay $0x3  }
0x33: {  	p0 =	seq.s32 s10, $0x1;
	s10 =	sld [smem:$0x3FB4];
	_ =	sdelay $0x3  }
0x34: {  	[smem:$0x3FB4] =	sst s10  }
0x35: {  	s10 =	sld [smem:$0x3FB3];
	_ =	sdelay $0x3  }
0x36: {  	p1 =	seq.s32 s10, $0x1;
	s10 =	sld [smem:$0x3FB4];
	_ =	sdelay $0x3  }
0x37: {  	[smem:$0x3FB4] =	sst s10  }
0x38: {  	s10 =	sld [smem:$0x3FB5]  }
0x39: {  	_ = 	snop;
	(pc) =	sbr.ind lr, $3  }
0x3a: {  	_ = 	snop  }
0x3b: {  	_ = 	snop  }
0x3c: {  	p2 =	seq.s32 s10, $0x1;
	s10 =	sld [smem:$0x3FB4]  }
0x3d: {  	_ =	shalt  }
0x3e: {  	_ =	shalt  }
0x3f: {  	_ =	shalt  }
0x40: {  	_ =	shalt  }
0x41: {  	_ =	shalt  }
0x42: {  	_ =	shalt  }
0x43: {  	_ =	shalt  }
0x44: {  	_ =	shalt  }
0x45: {  	_ =	shalt  }
0x46: {  	_ =	shalt  }
0x47: {  	_ =	shalt  }
0x48: {  	_ =	shalt  }
0x49: {  	_ =	shalt  }
0x4a: {  	_ =	shalt  }
0x4b: {  	_ =	shalt  }
0x4c: {  	_ =	shalt  }
0x4d: {  	_ =	shalt  }
0x4e: {  	_ =	shalt  }
0x4f: {  	_ =	shalt  }
0x50: {  	_ =	shalt  }
0x51: {  	_ =	shalt  }
0x52: {  	_ =	shalt  }
0x53: {  	_ =	shalt  }
0x54: {  	_ =	shalt  }
0x55: {  	_ =	shalt  }
0x56: {  	_ =	shalt  }
0x57: {  	_ =	shalt  }
0x58: {  	_ =	shalt  }
0x59: {  	_ =	shalt  }
0x5a: {  	_ =	shalt  }
0x5b: {  	_ =	shalt  }
0x5c: {  	_ =	shalt  }
0x5d: {  	_ =	shalt  }
0x5e: {  	_ =	shalt  }
0x5f: {  	_ =	shalt  }
0x60: {  	_ =	shalt  }
0x61: {  	_ =	shalt  }
0x62: {  	_ =	shalt  }
0x63: {  	_ =	shalt  }
0x64: {  	_ =	shalt  }
0x65: {  	_ =	shalt  }
0x66: {  	_ =	shalt  }
0x67: {  	_ =	shalt  }
0x68: {  	_ =	shalt  }
0x69: {  	_ =	shalt  }
0x6a: {  	_ =	shalt  }
0x6b: {  	_ =	shalt  }
0x6c: {  	_ =	shalt  }
0x6d: {  	_ =	shalt  }
0x6e: {  	_ =	shalt  }
0x6f: {  	_ =	shalt  }
0x70: {  	_ =	shalt  }
0x71: {  	_ =	shalt  }
0x72: {  	_ =	shalt  }
0x73: {  	_ =	shalt  }
0x74: {  	_ =	shalt  }
0x75: {  	_ =	shalt  }
0x76: {  	_ =	shalt  }
0x77: {  	_ =	shalt  }
0x78: {  	_ =	shalt  }
0x79: {  	_ =	shalt  }
0x7a: {  	_ =	shalt  }
0x7b: {  	_ =	shalt  }
0x7c: {  	_ =	shalt  }
0x7d: {  	_ =	shalt  }
0x7e: {  	_ =	shalt  }
0x7f: {  	_ =	shalt  }
0x80: {  	_ =	shalt  }
0x81: {  	_ =	shalt  }
0x82: {  	_ =	shalt  }
0x83: {  	_ =	shalt  }
0x84: {  	_ =	shalt  }
0x85: {  	_ =	shalt  }
0x86: {  	_ =	shalt  }
0x87: {  	_ =	shalt  }
.Lfunc_end0:
.L_simem_size_0:
called_computation.1_lowered:
.L_overlay_start_0:
0x88: {  	s2 =	sld [smem:$0x3FD9]  }
0x89: {  	s3 =	sld [smem:$0x3FFE];
	_ =	sdelay $0x1  }
0x8a: {  	s1 =	srdreg.scid  }
0x8b: {  	s0 =	sand.u32 $0x1, s1  }
0x8c: {  	s17 =	sshll.u32 s0, $0xA;
	s2 =	sadd.s32 s3, s2  }
0x8d: {  	s2 =	sadd.s32 s2, s17  }
0x8e: {  	[smem:$0x3FC0] =	sst s2  }
0x8f: {  	_ = 	snop  }
0x90: {  	s2 =	sld [smem:$0x3FD0];
	(tm) =	ssettm $0x1  }
0x91: {  	s18 =	sld [smem:$0x3FFB];
	_ =	sdelay $0x3  }
0x92: {  	_ =	strace s18  }
0x93: {  	s3 =	sld [smem:$0x3FFC];
	_ =	sdelay $0x3  }
0x94: {  	_ =	strace s3  }
0x95: {  	s3 =	sld [smem:$0x3FFD];
	_ =	sdelay $0x3  }
0x96: {  	_ =	strace s3  }
0x97: {  	_ =	strace $0x8FFFFFFF  }
0x98: {  	s19 =	sld [smem:$0x3FDB];
	_ =	sdelay $0x1  }
0x99: {  	s4 =	simm.s32 $_scs_section_size  }
0x9a: {  	s5 =	simm.s32 $_size__tile_overlayer_lowered;
	s6 =	simm.s32 $_tile_overlayer_lowered  }
0x9b: {  	s22 =	simm.s32 $0x1BFF;
	s21 =	sshll.u32 s6, $0x1;
	s3 =	sadd.s32 s4, s19  }
0x9c: {  	s7 =	simm.s32 $0x0;
	s20 =	sshll.u32 s5, $0x1;
	s5 =	sadd.s32 s21, s3  }
0x9d: {  	[timem:s7], [sflag:s22] =	dma.local [hbm:s5], s20  }
0x9e: {  	_ =	swait.ge [sflag:s22], s20  }
0x9f: {  	s4 =	ssub.s32 $0x0, s20;
	[sflag:s22] =	ssyncset.done $0x0  }
0xa0: {  	[sflag:s22] =	ssyncadd.s32 s4;
	_ =	sdelay $0x1  }
0xa1: {  	s23 =	simm.s32 $0x1B8B  }
0xa2: {  	_ =	swait.ge [sflag:s23], $0x1  }
0xa3: {  	[sflag:s23] =	ssyncset.done $0x0  }
0xa4: {  	s25 =	simm.s32 $0x1B8E;
	s24 =	sld [smem:$0x3FFE];
	[sflag:s23] =	ssyncadd.s32 $0xFFFFFFFF  }
0xa5: {  	s26 =	simm.s32 $execute0_lowered;
	[smem:$0x3FD2] =	sst s25  }
0xa6: {  	s5 =	sshll.u32 s26, $0x1;
	_ =	strace $0x80000049;
	[dreg:$0x1] =	wrdreg $0xFFFFFFFF  }
0xa7: {  	s28 =	simm.s32 $_size_execute0_lowered;
	s3 =	sadd.s32 s3, s5;
	[dreg:$0x0] =	wrdreg $0x0  }
0xa8: {  	s5 =	sshll.u32 s28, $0x1;
	[dreg:$0x2] =	wrdreg s3  }
0xa9: {  	[dreg:$0x3] =	wrdreg s5  }
0xaa: {  	[dreg:$0x4] =	wrdreg $0xC0  }
0xab: {  	_ =	task [dreg:s7], $0x5FFFF  }
0xac: {  	[dreg:$0x1] =	wrdreg $0xFFFFFFFF  }
0xad: {  	[dreg:$0x0] =	wrdreg $0x60  }
0xae: {  	[dreg:$0x2] =	wrdreg s2  }
0xaf: {  	[dreg:$0x3] =	wrdreg s24  }
0xb0: {  	[dreg:$0x4] =	wrdreg $0x0  }
0xb1: {  	[dreg:$0x5] =	wrdreg $0x9  }
0xb2: {  	_ =	task.clear_ibuf [dreg:s7], $0x6FFFF;
	_ =	strace $0x90000049  }
0xb3: {  	s29 =	simm.s32 $0x9;
	_ =	strace $0x8000004B  }
0xb4: {  	_ =	swait.ge [sflag:s29], $0x1  }
0xb5: {  	[sflag:s29] =	ssyncadd.s32 $0xFFFFFFFF  }
0xb6: {  	_ =	strace $0x9000004B  }
0xb7: {  	_ =	sfence  }
0xb8: {  	s30 =	sld [smem:$0x0];
	_ =	sdelay $0x2  }
0xb9: {  	s31 =	sshll.u32 s1, $0xD;
	s1 =	sshrl.u32 s1, $0x2  }
0xba: {  	s3 =	sand.u32 $0x4000, s31;
	s1 =	sadd.s32 s1, s30  }
0xbb: {  	s0 =	sor.u32 s3, s0;
	s1 =	sshll.u32 s1, $0x11  }
0xbc: {  	s0 =	sor.u32 s1, s0  }
0xbd: {  	s0 =	sadd.s32 $0x8F2B, s0  }
0xbe: {  	[sflag:s0] =	ssyncadd.remote.s32 $0x1  }
0xbf: {  	_ =	sfence.sel $0xFFFF  }
0xc0: {  	[dreg:$0x0] =	wrdreg $0xFFFFFFFF;
	(pc) =	sbr.abs _section_cstart, $3  }
0xc1: {  	[dreg:$0x1] =	wrdreg $0xFFFFFFFF  }
0xc2: {  	_ =	task.clear_ibuf [dreg:s7], $0x2FFFF;
	_ =	strace $0x9FFFFFFF  }
0xc3: {  	(tm) =	ssettm $0x7FFFFFFF  }
tec
execute0_lowered:
.L_overlay_start_1:
0x0: {  	(tag) =	ssettag $0x1  }
0x1: {  	s2 =	rddreg [dreg:$0x0]  }
0x2: {  	s6 =	rddreg [dreg:$0x1]  }
0x3: {  	s3 =	rddreg [dreg:$0x2]  }
0x4: {  	s0 =	rddreg [dreg:$0x3]  }
0x5: {  	s1 =	stileid.u32;
	s7 =	srdreg.scid  }
0x6: {  	s4 =	simm.s32 $0x0;
	s19 =	simm.s32 $0x14100;
	s20 =	simm.s32 $0x2  }
0x7: {  	s21 =	simm.s32 $0x14000;
	s22 =	simm.s32 $0x14080;
	s5 =	smul.u32 $0x9E0, s1  }
0x8: {  	s23 =	simm.s32 $0x80;
	s24 =	simm.s32 $0x1;
	s30 =	smul.u32 $0x280, s1  }
0x9: {  	s12 =	sand.u32 $0x1, s7;
	[smem:$0x7FF] =	sst s4;
	s9 =	smul.u32 $0x50000, s1  }
0xa: {  	s25 =	simm.s32 $0x0;
	s8 =	smul.u32 $0x2800, s12;
	_ =	strace $0x8000004A  }
0xb: {  	s31 =	ssub.s32 $0x2, s12;
	s18 =	smul.u32 $0x4F0, s12;
	s17 =	sadd.s32 s5, s6  }
0xc: {  	s5 =	sadd.s32 $0x15E00, s6;
	s10 =	sshrl.u32 s31, $0x1;
	s9 =	sshrl.u32 s9, $0x2  }
0xd: {  	s7 =	sadd.s32 s30, s8;
	s16 =	ssub.s32 s31, s10;
	s18 =	sadd.s32 s18, s17  }
0xe: {  	s7 =	sshll.u32 s7, $0x4;
	s16 =	smax.u32 s16, $0x1;
	s17 =	sadd.s32 $0x1E00, s18  }
0xf: {  	s18 =	sadd.s32 $0xBC00, s18;
	s15 =	sadd.s32 s7, s6;
	s6 =	sadd.s32 s9, s3  }
0x10: {  	s7 =	sadd.s32 $0x4000, s6;
	s8 =	sadd.s32 $0x8000, s6;
	s9 =	sadd.s32 $0xC000, s6  }
0x11: {  	s10 =	sadd.s32 $0x10000, s6;
	s11 =	sadd.s32 $0x64800, s15;
	s12 =	sadd.s32 $0x65000, s15  }
0x12: {  	s13 =	sadd.s32 $0x65800, s15;
	s14 =	sadd.s32 $0x66000, s15;
	s15 =	sadd.s32 $0x66800, s15  }
.LBB2_1:
0x13: {  	[tilespmem:s19], [sflag:$0x2] =	stream.linear.gather [hbm4b:s5+s4], $0x4000, $0x38;
	[tilespmem:$0x18100] =	vst v63  }
0x14: {  	_ =	swait.ge [sflag:s20], $0x4000  }
0x15: {  	[sflag:s20] =	ssyncset.done $0x0  }
0x16: {  	[sflag:s20] =	ssyncadd.s32 $0xFFFFC000  }
0x17: {  	[spmem:s6] =	stream.linear.scatter [tilespmem:s19], [sflag:$0x2], $0x4000, $0x38;
	[tilespmem:$0x18100] =	vst v63  }
0x18: {  	_ =	swait.ge [sflag:s20], $0x4000  }
0x19: {  	[sflag:s20] =	ssyncset.done $0x0  }
0x1a: {  	[sflag:s20] =	ssyncadd.s32 $0xFFFFC000  }
0x1b: {  	[spmem:s7] =	stream.linear.scatter [tilespmem:s19], [sflag:$0x2], $0x4000, $0x38;
	[tilespmem:$0x18100] =	vst v63  }
0x1c: {  	_ =	swait.ge [sflag:s20], $0x4000  }
0x1d: {  	[sflag:s20] =	ssyncset.done $0x0  }
0x1e: {  	[sflag:s20] =	ssyncadd.s32 $0xFFFFC000  }
0x1f: {  	[spmem:s8] =	stream.linear.scatter [tilespmem:s19], [sflag:$0x2], $0x4000, $0x38;
	[tilespmem:$0x18100] =	vst v63  }
0x20: {  	_ =	swait.ge [sflag:s20], $0x4000  }
0x21: {  	[sflag:s20] =	ssyncset.done $0x0  }
0x22: {  	[sflag:s20] =	ssyncadd.s32 $0xFFFFC000  }
0x23: {  	[spmem:s9] =	stream.linear.scatter [tilespmem:s19], [sflag:$0x2], $0x4000, $0x38;
	[tilespmem:$0x18100] =	vst v63  }
0x24: {  	_ =	swait.ge [sflag:s20], $0x4000  }
0x25: {  	[sflag:s20] =	ssyncset.done $0x0  }
0x26: {  	[sflag:s20] =	ssyncadd.s32 $0xFFFFC000  }
0x27: {  	[spmem:s10] =	stream.linear.scatter [tilespmem:s19], [sflag:$0x2], $0x4000, $0x38;
	[tilespmem:$0x18100] =	vst v63  }
0x28: {  	_ =	swait.ge [sflag:s20], $0x4000  }
0x29: {  	[sflag:s20] =	ssyncset.done $0x0  }
0x2a: {  	[sflag:s20] =	ssyncadd.s32 $0xFFFFC000  }
0x2b: {  	s26 =	sadd.s32 $0x0, s18;
	[bflag:$0x0] =	sbarrier.arrive $0xFFFF  }
0x2c: {  	[tilespmem:s21], [sflag:$0x2] =	stream.linear.gather [hbm4b:s26+s4], $0x80, $0x38;
	[tilespmem:$0x18100] =	vst v63  }
0x2d: {  	_ =	swait.ge [sflag:s20], $0x80  }
0x2e: {  	[sflag:s20] =	ssyncset.done $0x0  }
0x2f: {  	s31 =	sadd.s32 $0x0, s17;
	[sflag:s20] =	ssyncadd.s32 $0xFFFFFF80  }
0x30: {  	[tilespmem:s22], [sflag:$0x2] =	stream.linear.gather [hbm4b:s31+s4], $0x80, $0x38;
	[tilespmem:$0x18100] =	vst v63  }
0x31: {  	_ =	swait.ge [sflag:s20], $0x80  }
0x32: {  	[sflag:s20] =	ssyncset.done $0x0  }
0x33: {  	[sflag:s20] =	ssyncadd.s32 $0xFFFFFF80  }
0x34: {  	[tilespmem:s19], [sflag:$0x1] =	stream.indirect.gather [hbm4b:s2+s23], $0x80, s21, s23, $0xb8;
	[tilespmem:$0x18100] =	vst v63  }
0x35: {  	_ =	swait.ge [sflag:s24], $0x4000  }
0x36: {  	[sflag:s24] =	ssyncset.done $0x0  }
0x37: {  	[sflag:s24] =	ssyncadd.s32 $0xFFFFC000  }
0x38: {  	[spmem:s3] =	stream.indirect.scatter.add.f32 [tilespmem:s19], [sflag:$0x2], $0x80, s22, s23, $0xb8;
	[tilespmem:$0x18100] =	vst v63  }
0x39: {  	_ =	swait.ge [sflag:s20], $0x4000  }
0x3a: {  	s28 =	simm.s32 $0x20;
	s26 =	simm.s32 $0x10;
	[sflag:s20] =	ssyncset.done $0x0  }
.LBB2_2:
0x3b: {  	s29 =	sadd.s32 s26, s18  }
0x3c: {  	[sflag:s20] =	ssyncadd.s32 $0xFFFFC000;
	s30 =	smov.u32 s28;
	s31 =	sadd.s32 $0x10, s28  }
0x3d: {  	[tilespmem:s21], [sflag:$0x2] =	stream.linear.gather [hbm4b:s29+s4], $0x80, $0x38;
	[tilespmem:$0x18100] =	vst v63  }
0x3e: {  	p0 =	sne.s32 s28, $0x4E0;
	_ =	swait.ge [sflag:s20], $0x80  }
0x3f: {  	[sflag:s20] =	ssyncset.done $0x0  }
0x40: {  	s28 =	sadd.s32 s26, s17;
	s26 =	smov.u32 s30;
	[sflag:s20] =	ssyncadd.s32 $0xFFFFFF80  }
0x41: {  	[tilespmem:s22], [sflag:$0x2] =	stream.linear.gather [hbm4b:s28+s4], $0x80, $0x38;
	[tilespmem:$0x18100] =	vst v63  }
0x42: {  	_ =	swait.ge [sflag:s20], $0x80  }
0x43: {  	[sflag:s20] =	ssyncset.done $0x0  }
0x44: {  	[sflag:s20] =	ssyncadd.s32 $0xFFFFFF80  }
0x45: {  	[tilespmem:s19], [sflag:$0x1] =	stream.indirect.gather [hbm4b:s2+s23], $0x80, s21, s23, $0xb8;
	[tilespmem:$0x18100] =	vst v63  }
0x46: {  	_ =	swait.ge [sflag:s24], $0x4000  }
.Ltmp0:
0x47: {  	[sflag:s24] =	ssyncset.done $0x0;
	(pc) =	sbr.rel @p0 .LBB2_2-.Ltmp0, $4  }
0x48: {  	[sflag:s24] =	ssyncadd.s32 $0xFFFFC000  }
0x49: {  	[spmem:s3] =	stream.indirect.scatter.add.f32 [tilespmem:s19], [sflag:$0x2], $0x80, s22, s23, $0xb8;
	[tilespmem:$0x18100] =	vst v63  }
0x4a: {  	_ =	swait.ge [sflag:s20], $0x4000  }
0x4b: {  	s28 =	smov.u32 s31;
	[sflag:s20] =	ssyncset.done $0x0  }
0x4c: {  	s28 =	sadd.s32 s26, s18;
	[sflag:s20] =	ssyncadd.s32 $0xFFFFC000  }
0x4d: {  	[tilespmem:s21], [sflag:$0x2] =	stream.linear.gather [hbm4b:s28+s4], $0x80, $0x38;
	[tilespmem:$0x18100] =	vst v63  }
0x4e: {  	_ =	swait.ge [sflag:s20], $0x80  }
0x4f: {  	[sflag:s20] =	ssyncset.done $0x0  }
0x50: {  	s31 =	sadd.s32 s26, s17;
	[sflag:s20] =	ssyncadd.s32 $0xFFFFFF80  }
0x51: {  	[tilespmem:s22], [sflag:$0x2] =	stream.linear.gather [hbm4b:s31+s4], $0x80, $0x38;
	[tilespmem:$0x18100] =	vst v63  }
0x52: {  	_ =	swait.ge [sflag:s20], $0x80  }
0x53: {  	[sflag:s20] =	ssyncset.done $0x0  }
0x54: {  	[sflag:s20] =	ssyncadd.s32 $0xFFFFFF80  }
0x55: {  	[tilespmem:s19], [sflag:$0x1] =	stream.indirect.gather [hbm4b:s2+s23], $0x80, s21, s23, $0xb8;
	[tilespmem:$0x18100] =	vst v63  }
0x56: {  	_ =	swait.ge [sflag:s24], $0x4000  }
0x57: {  	[sflag:s24] =	ssyncset.done $0x0  }
0x58: {  	[sflag:s24] =	ssyncadd.s32 $0xFFFFC000  }
0x59: {  	[spmem:s3] =	stream.indirect.scatter.add.f32 [tilespmem:s19], [sflag:$0x2], $0x80, s22, s23, $0xb8;
	[tilespmem:$0x18100] =	vst v63  }
0x5a: {  	_ =	swait.ge [sflag:s20], $0x4000  }
0x5b: {  	[sflag:s20] =	ssyncset.done $0x0  }
0x5c: {  	[sflag:s20] =	ssyncadd.s32 $0xFFFFC000  }
0x5d: {  	[bflag:$0x0] =	sbarrier.arrive $0xFFFF  }
0x5e: {  	[tilespmem:s19], [sflag:$0x2] =	stream.linear.gather [spmem:s6], $0x4000, $0x38;
	[tilespmem:$0x18100] =	vst v63  }
0x5f: {  	_ =	swait.ge [sflag:s20], $0x4000  }
0x60: {  	[sflag:s20] =	ssyncset.done $0x0  }
0x61: {  	[sflag:s20] =	ssyncadd.s32 $0xFFFFC000  }
0x62: {  	[hbm4b:s11+s4] =	stream.linear.scatter [tilespmem:s19], [sflag:$0x2], $0x4000, $0x38;
	[tilespmem:$0x18100] =	vst v63  }
0x63: {  	_ =	swait.ge [sflag:s20], $0x4000  }
0x64: {  	[sflag:s20] =	ssyncset.done $0x0  }
0x65: {  	[sflag:s20] =	ssyncadd.s32 $0xFFFFC000  }
0x66: {  	[tilespmem:s19], [sflag:$0x2] =	stream.linear.gather [spmem:s7], $0x4000, $0x38;
	[tilespmem:$0x18100] =	vst v63  }
0x67: {  	_ =	swait.ge [sflag:s20], $0x4000  }
0x68: {  	[sflag:s20] =	ssyncset.done $0x0  }
0x69: {  	[sflag:s20] =	ssyncadd.s32 $0xFFFFC000  }
0x6a: {  	[hbm4b:s12+s4] =	stream.linear.scatter [tilespmem:s19], [sflag:$0x2], $0x4000, $0x38;
	[tilespmem:$0x18100] =	vst v63  }
0x6b: {  	_ =	swait.ge [sflag:s20], $0x4000  }
0x6c: {  	[sflag:s20] =	ssyncset.done $0x0  }
0x6d: {  	[sflag:s20] =	ssyncadd.s32 $0xFFFFC000  }
0x6e: {  	[tilespmem:s19], [sflag:$0x2] =	stream.linear.gather [spmem:s8], $0x4000, $0x38;
	[tilespmem:$0x18100] =	vst v63  }
0x6f: {  	_ =	swait.ge [sflag:s20], $0x4000  }
0x70: {  	[sflag:s20] =	ssyncset.done $0x0  }
0x71: {  	[sflag:s20] =	ssyncadd.s32 $0xFFFFC000  }
0x72: {  	[hbm4b:s13+s4] =	stream.linear.scatter [tilespmem:s19], [sflag:$0x2], $0x4000, $0x38;
	[tilespmem:$0x18100] =	vst v63  }
0x73: {  	_ =	swait.ge [sflag:s20], $0x4000  }
0x74: {  	[sflag:s20] =	ssyncset.done $0x0  }
0x75: {  	[sflag:s20] =	ssyncadd.s32 $0xFFFFC000  }
0x76: {  	[tilespmem:s19], [sflag:$0x2] =	stream.linear.gather [spmem:s9], $0x4000, $0x38;
	[tilespmem:$0x18100] =	vst v63  }
0x77: {  	_ =	swait.ge [sflag:s20], $0x4000  }
0x78: {  	[sflag:s20] =	ssyncset.done $0x0  }
0x79: {  	[sflag:s20] =	ssyncadd.s32 $0xFFFFC000  }
0x7a: {  	[hbm4b:s14+s4] =	stream.linear.scatter [tilespmem:s19], [sflag:$0x2], $0x4000, $0x38;
	[tilespmem:$0x18100] =	vst v63  }
0x7b: {  	_ =	swait.ge [sflag:s20], $0x4000  }
0x7c: {  	[sflag:s20] =	ssyncset.done $0x0  }
0x7d: {  	[sflag:s20] =	ssyncadd.s32 $0xFFFFC000  }
0x7e: {  	[tilespmem:s19], [sflag:$0x2] =	stream.linear.gather [spmem:s10], $0x4000, $0x38;
	[tilespmem:$0x18100] =	vst v63  }
0x7f: {  	s25 =	sadd.s32 $0x1, s25;
	_ =	swait.ge [sflag:s20], $0x4000  }
0x80: {  	p0 =	sne.s32 s25, s16;
	[sflag:s20] =	ssyncset.done $0x0  }
.Ltmp1:
0x81: {  	[sflag:s20] =	ssyncadd.s32 $0xFFFFC000;
	(pc) =	sbr.rel @p0 .LBB2_1-.Ltmp1, $4  }
0x82: {  	[hbm4b:s15+s4] =	stream.linear.scatter [tilespmem:s19], [sflag:$0x2], $0x4000, $0x38;
	[tilespmem:$0x18100] =	vst v63  }
0x83: {  	_ =	swait.ge [sflag:s20], $0x4000  }
0x84: {  	[sflag:s20] =	ssyncset.done $0x0  }
0x85: {  	[sflag:s20] =	ssyncadd.s32 $0xFFFFC000  }
0x86: {  	_ =	sfence.sel $0x180000  }
0x87: {  	[bflag:$0x0] =	sbarrier.arrive $0xFFFF  }
0x88: {  	p0 =	sne.s32 s1, $0x0;
	_ =	strace $0x9000004A  }
0x89: {  	s0 =	sadd.s32 @!p0 $0x100000, s0;
	[bflag:$0x2] =	sbarrier.arrive $0xFFFF  }
0x8a: {  	[sflag:s0] =	ssyncadd.tile.s32 @!p0 $0x1;
	_ =	shalt  }
.Lfunc_end2:
_tile_overlayer_lowered:
.L_overlay_start_2:
0x8b: {  	(tag) =	ssettag $0x2  }
0x8c: {  	s0 =	rddreg [dreg:$0x0];
	s2 =	stileid.u32  }
0x8d: {  	s1 =	rddreg [dreg:$0x1];
	p0 =	sne.s32 s2, $0x0  }
0x8e: {  	s3 =	rddreg [dreg:$0x2];
	[bflag:$0x3] =	sbarrier.arrive $0xFFFF;
	s2 =	simm.s32 @!p0 $0x1C02  }
0x8f: {  	[timem:s3], [sflag:s2] =	dma.local @!p0 [hbm:s0], s1  }
0x90: {  	s0 =	simm.s32 @!p0 $0x2  }
0x91: {  	_ =	swait.ge @!p0 [sflag:s0], s1  }
0x92: {  	s1 =	ssub.s32 @!p0 $0x0, s1;
	[sflag:s0] =	ssyncset.done @!p0 $0x0  }
0x93: {  	[sflag:s0] =	ssyncadd.s32 @!p0 s1  }
0x94: {  	[bflag:$0x3] =	sbarrier.arrive $0xFFFF  }
0x95: {  	_ =	shalt  }

</sc_bundles>
